<compile_context>
chip_gen: v7x
topology: tpu7x:2x2x1
jax: 0.10.2.dev20260603
libtpu: 0.0.44.dev20260713+nightly
codegen_flags: <defaults>
</compile_context>

<pallas_src>
import functools

import jax
import jax.numpy as jnp
from jax import lax
from jax.experimental import pallas as pl
from jax.experimental.pallas import tpu as pltpu
from jax.experimental.pallas import tpu_sc as plsc

L = 16


def _build_sc_call(bsz, seq, dim, bpw, nc):
    tab_words = (seq + 1) * dim
    chunk = bpw * seq
    bvec = bpw // L
    sg = 2
    ngrp = seq // sg

    mesh = plsc.VectorSubcoreMesh(core_axis_name="c", subcore_axis_name="s")

    @functools.partial(
        pl.kernel,
        mesh=mesh,
        compiler_params=pltpu.CompilerParams(needs_layout_passes=False),
        out_type=jax.ShapeDtypeStruct((seq * dim, bsz), jnp.float32),
        scratch_types=[
            pltpu.VMEM((tab_words,), jnp.float32),
            pltpu.VMEM((dim * L,), jnp.float32),
            pltpu.VMEM((chunk + L,), jnp.int32),
            pltpu.VMEM((sg * dim, bpw), jnp.float32),
            pltpu.VMEM((sg * dim, bpw), jnp.float32),
            pltpu.SemaphoreType.DMA,
            pltpu.SemaphoreType.DMA,
        ],
    )
    def sc_embed(inp_hbm, w_hbm, out_hbm, tab_v, pad_v, inp_v,
                 blk0, blk1, sem0, sem1):
        wid = lax.axis_index("s") * nc + lax.axis_index("c")
        base = wid * bpw

        pltpu.sync_copy(w_hbm.at[pl.ds(0, tab_words)], tab_v)
        pltpu.sync_copy(inp_hbm.at[pl.ds(base * seq, chunk)],
                        inp_v.at[pl.ds(0, chunk)])

        iota = lax.iota(jnp.int32, L)
        zero_v = jnp.zeros((L,), jnp.int32)

        def pad_body(d, c):
            p = plsc.load_gather(tab_v, [jnp.full((L,), d, jnp.int32)])
            pad_v[pl.ds(d * L, L)] = p
            return c
        lax.fori_loop(0, dim, pad_body, 0)

        iota_seq = iota * seq

        def do_spos(s, blk, row0):
            m = [plsc.load_gather(inp_v, [iota_seq + (j * L * seq + s)])
                 != zero_v for j in range(bvec)]
            sbase = (s + 1) * dim

            def d_body(d, c):
                t = plsc.load_gather(
                    tab_v, [jnp.full((L,), sbase + d, jnp.int32)])
                p = pad_v[pl.ds(d * L, L)]
                r = row0 + d
                for j in range(bvec):
                    blk[r, pl.ds(j * L, L)] = jnp.where(m[j], t, p)
                return c
            lax.fori_loop(0, dim, d_body, 0, unroll=4)

        def do_group(g, blk, sem, primed):
            @pl.when(primed)
            def _wait_prev():
                pltpu.make_async_copy(
                    blk, out_hbm.at[pl.ds(0, sg * dim), pl.ds(base, bpw)],
                    sem).wait()

            for ss in range(sg):
                do_spos(g * sg + ss, blk, ss * dim)
            pltpu.async_copy(
                blk,
                out_hbm.at[pl.ds(g * sg * dim, sg * dim), pl.ds(base, bpw)],
                sem)

        def pair_body(i, c):
            do_group(2 * i, blk0, sem0, i > 0)
            do_group(2 * i + 1, blk1, sem1, i > 0)
            return c

        lax.fori_loop(0, ngrp // 2, pair_body, 0)
        pltpu.make_async_copy(
            blk0, out_hbm.at[pl.ds(0, sg * dim), pl.ds(base, bpw)],
            sem0).wait()
        pltpu.make_async_copy(
            blk1, out_hbm.at[pl.ds(0, sg * dim), pl.ds(base, bpw)],
            sem1).wait()

    return sc_embed


def kernel(input, weights):
    bsz, seq = input.shape
    dim = weights.shape[1]
    info = plsc.get_sparse_core_info()
    nc, ns = info.num_cores, info.num_subcores
    nw = nc * ns
    bpw = bsz // nw
    sc_embed = _build_sc_call(bsz, seq, dim, bpw, nc)
    out = sc_embed(input.reshape(-1), weights.reshape(-1))
    return out.reshape(seq, dim, bsz).transpose(2, 0, 1)

# --- scband reference (transcript-rebuilt; emitter-appended) ---
"""Pipeline reference for scband-sinusoidal-positional-embedding-84765474554338 (READ-ONLY COPY).

The authoritative reference and input builder live on the scoring server;
editing this copy changes nothing except your own understanding.
"""

import jax, jax.numpy as jnp
import numpy as np
import math

EMBED_DIM = 64
PADDING_IDX = 0
INIT_SIZE = 1024
LEFT_PAD = False
BSZ = 4096
SEQ = 200


def get_embedding(num_embeddings, embedding_dim, padding_idx):
    half_dim = embedding_dim // 2
    emb_scale = math.log(10000) / (half_dim - 1)
    emb = jnp.exp(jnp.arange(half_dim, dtype=jnp.float32) * -emb_scale)
    emb = jnp.arange(num_embeddings, dtype=jnp.float32)[:, None] * emb[None, :]
    emb = jnp.concatenate([jnp.sin(emb), jnp.cos(emb)], axis=1).reshape(num_embeddings, -1)
    if embedding_dim % 2 == 1:
        emb = jnp.concatenate([emb, jnp.zeros((num_embeddings, 1), dtype=jnp.float32)], axis=1)
    emb = emb.at[padding_idx].set(jnp.zeros((emb.shape[1],), dtype=jnp.float32))
    return emb


def setup_inputs(seed: int = 0) -> dict:
    key = jax.random.key(seed)
    inp = jax.random.randint(key, (BSZ, SEQ), 0, 1000, dtype=jnp.int32)
    weights = get_embedding(INIT_SIZE, EMBED_DIM, PADDING_IDX)
    return {"input": inp, "weights": weights}


def reference(input, weights):
    bsz, seq_len = input.shape
    mask = input != PADDING_IDX
    # positions_buffer[:seq_len] = [padding_idx+1, ..., padding_idx+seq_len]
    positions = jnp.arange(PADDING_IDX + 1, PADDING_IDX + 1 + seq_len, dtype=input.dtype)[None, :]
    positions = jnp.broadcast_to(positions, input.shape)
    # left_pad=False, so no left-pad shift is applied.
    # masked_scatter_(mask, positions[mask]) with same-shape source == where(mask, positions, input)
    positions = jnp.where(mask, positions, input)
    out = jnp.take(weights, positions.reshape(-1), axis=0).reshape(bsz, seq_len, -1)
    return out

if __name__ == "__main__":
    import jax
    _d = setup_inputs()
    print(jax.jit(kernel)(*tuple(_d.values())))

</pallas_src>

<mosaic_0001>
#map = affine_map<(d0, d1) -> (0)>
#map1 = affine_map<(d0, d1) -> (0, 0)>
module attributes {stable_mosaic.version = 14 : i64} {
  func.func @sc_embed(%arg0: i32, %arg1: i32, %arg2: memref<819200xi32, #tpu.memory_space<hbm>>, %arg3: memref<65536xf32, #tpu.memory_space<hbm>>, %arg4: memref<12800x4096xf32, #tpu.memory_space<hbm>>, %arg5: memref<12864xf32, #tpu.memory_space<vmem>>, %arg6: memref<1024xf32, #tpu.memory_space<vmem>>, %arg7: memref<25616xi32, #tpu.memory_space<vmem>>, %arg8: memref<128x128xf32, #tpu.memory_space<vmem>>, %arg9: memref<128x128xf32, #tpu.memory_space<vmem>>, %arg10: memref<!tpu.dma_semaphore, #tpu.memory_space<semaphore_mem>>, %arg11: memref<!tpu.dma_semaphore, #tpu.memory_space<semaphore_mem>>) attributes {dimension_semantics = [#tpu.dimension_semantics<core_parallel>, #tpu.dimension_semantics<subcore_parallel>], iteration_bounds = array<i64: 2, 16>, scalar_prefetch = 0 : i64, scratch_operands = 7 : i64, tpu.core_type = #tpu.core_type<sc_vector_subcore>, window_params = [{transform_indices = #map}, {transform_indices = #map}, {transform_indices = #map1}]} {
    %mul3A = arith.constant 2 : i32
    %mul3A_0 = arith.muli %arg1, %mul3A : i32
    %add3A = arith.addi %mul3A_0, %arg0 : i32
    %mul3A_1 = arith.constant 128 : i32
    %mul3A_2 = arith.muli %add3A, %mul3A_1 : i32
    "tpu.region"() ({
      %run_scoped3A = tpu.sem_alloc : memref<!tpu.dma_semaphore, #tpu.memory_space<semaphore_mem>>
      %dma_start3A = arith.constant 0 : i32
      %dma_start3A_27 = tpu.memref_slice %arg3[%dma_start3A] : memref<65536xf32, #tpu.memory_space<hbm>> -> memref<12864xf32, #tpu.memory_space<hbm>>
      %dma_start3A_28 = arith.constant 0 : i32
      %dma_start3A_29 = tpu.memref_slice %arg3[%dma_start3A_28] : memref<65536xf32, #tpu.memory_space<hbm>> -> memref<12864xf32, #tpu.memory_space<hbm>>
      tpu.enqueue_dma source(%dma_start3A_29 : memref<12864xf32, #tpu.memory_space<hbm>>) target(%arg5 : memref<12864xf32, #tpu.memory_space<vmem>>) target_semaphore(%run_scoped3A : memref<!tpu.dma_semaphore, #tpu.memory_space<semaphore_mem>>)
      %dma_wait3A_30 = arith.constant 0 : i32
      %dma_wait3A_31 = tpu.memref_slice %arg3[%dma_wait3A_30] : memref<65536xf32, #tpu.memory_space<hbm>> -> memref<12864xf32, #tpu.memory_space<hbm>>
      %dma_wait3A_32 = arith.constant 0 : i32
      %dma_wait3A_33 = tpu.memref_slice %arg3[%dma_wait3A_32] : memref<65536xf32, #tpu.memory_space<hbm>> -> memref<12864xf32, #tpu.memory_space<hbm>>
      tpu.wait_dma2 semaphore(%run_scoped3A : memref<!tpu.dma_semaphore, #tpu.memory_space<semaphore_mem>>) src(%dma_wait3A_33 : memref<12864xf32, #tpu.memory_space<hbm>>) dst(%arg5 : memref<12864xf32, #tpu.memory_space<vmem>>)
      tpu.yield
    }) : () -> ()
    %mul3A_3 = arith.constant 200 : i32
    %mul3A_4 = arith.muli %mul3A_2, %mul3A_3 : i32
    "tpu.region"() ({
      %run_scoped3A = tpu.sem_alloc : memref<!tpu.dma_semaphore, #tpu.memory_space<semaphore_mem>>
      %dma_start3A = arith.constant 0 : i32
      %dma_start3A_27 = tpu.memref_slice %arg7[%dma_start3A] : memref<25616xi32, #tpu.memory_space<vmem>> -> memref<25600xi32, #tpu.memory_space<vmem>>
      %dma_start3A_28 = tpu.memref_slice %arg2[%mul3A_4] : memref<819200xi32, #tpu.memory_space<hbm>> -> memref<25600xi32, #tpu.memory_space<hbm>>
      %dma_start3A_29 = arith.constant 0 : i32
      %dma_start3A_30 = tpu.memref_slice %arg7[%dma_start3A_29] : memref<25616xi32, #tpu.memory_space<vmem>> -> memref<25600xi32, #tpu.memory_space<vmem>>
      %dma_start3A_31 = tpu.memref_slice %arg2[%mul3A_4] : memref<819200xi32, #tpu.memory_space<hbm>> -> memref<25600xi32, #tpu.memory_space<hbm>>
      tpu.enqueue_dma source(%dma_start3A_31 : memref<25600xi32, #tpu.memory_space<hbm>>) target(%dma_start3A_30 : memref<25600xi32, #tpu.memory_space<vmem>>) target_semaphore(%run_scoped3A : memref<!tpu.dma_semaphore, #tpu.memory_space<semaphore_mem>>)
      %dma_wait3A_32 = arith.constant 0 : i32
      %dma_wait3A_33 = tpu.memref_slice %arg7[%dma_wait3A_32] : memref<25616xi32, #tpu.memory_space<vmem>> -> memref<25600xi32, #tpu.memory_space<vmem>>
      %dma_wait3A_34 = tpu.memref_slice %arg2[%mul3A_4] : memref<819200xi32, #tpu.memory_space<hbm>> -> memref<25600xi32, #tpu.memory_space<hbm>>
      %dma_wait3A_35 = arith.constant 0 : i32
      %dma_wait3A_36 = tpu.memref_slice %arg7[%dma_wait3A_35] : memref<25616xi32, #tpu.memory_space<vmem>> -> memref<25600xi32, #tpu.memory_space<vmem>>
      %dma_wait3A_37 = tpu.memref_slice %arg2[%mul3A_4] : memref<819200xi32, #tpu.memory_space<hbm>> -> memref<25600xi32, #tpu.memory_space<hbm>>
      tpu.wait_dma2 semaphore(%run_scoped3A : memref<!tpu.dma_semaphore, #tpu.memory_space<semaphore_mem>>) src(%dma_wait3A_37 : memref<25600xi32, #tpu.memory_space<hbm>>) dst(%dma_wait3A_36 : memref<25600xi32, #tpu.memory_space<vmem>>)
      tpu.yield
    }) : () -> ()
    %iota3A = tpu.iota {dimensions = array<i32: 0>} : vector<16xi32>
    %broadcast_in_dim3A = arith.constant 0 : i32
    %broadcast_in_dim3A_5 = vector.broadcast %broadcast_in_dim3A : i32 to vector<16xi32>
    %scan3A = arith.constant 0 : i32
    %scan3A_6 = arith.constant 0 : i32
    %scan3A_7 = arith.constant 64 : i32
    %scan3A_8 = arith.addi %scan3A_6, %scan3A_7 : i32
    %scan3A_9 = arith.constant 1 : i32
    scf.for %scan3A_27 = %scan3A_6 to %scan3A_8 step %scan3A_9  : i32 {
      %broadcast_in_dim3A_28 = vector.broadcast %scan3A_27 : i32 to vector<16xi32>
      %gather3A = tpu.vector_load_idx %arg5[%broadcast_in_dim3A_28] : memref<12864xf32, #tpu.memory_space<vmem>>[vector<16xi32>], vector<16xf32>,
      %mul3A_29 = arith.constant 16 : i32
      %mul3A_30 = arith.muli %scan3A_27, %mul3A_29 : i32
      %swap3A = arith.index_cast %mul3A_30 : i32 to index
      %swap3A_31 = tpu.vector_load %arg6[%swap3A] {strides = array<i32>} : memref<1024xf32, #tpu.memory_space<vmem>>, vector<16xf32>,
      tpu.vector_store %arg6[%swap3A], %gather3A {strides = array<i32>} : memref<1024xf32, #tpu.memory_space<vmem>>, vector<16xf32>,
    }
    %scan3A_10 = arith.constant 64 : i32
    %mul3A_11 = arith.constant 200 : i32
    %mul3A_12 = vector.broadcast %mul3A_11 : i32 to vector<16xi32>
    %mul3A_13 = arith.muli %iota3A, %mul3A_12 : vector<16xi32>
    %scan3A_14 = arith.constant 0 : i32
    %scan3A_15 = arith.constant 0 : i32
    %scan3A_16 = arith.constant 50 : i32
    %scan3A_17 = arith.addi %scan3A_15, %scan3A_16 : i32
    %scan3A_18 = arith.constant 1 : i32
    scf.for %scan3A_27 = %scan3A_15 to %scan3A_17 step %scan3A_18  : i32 {
      %mul3A_28 = arith.constant 2 : i32
      %mul3A_29 = arith.muli %mul3A_28, %scan3A_27 : i32
      %gt3A = arith.constant 0 : i32
      %gt3A_30 = arith.cmpi sgt, %scan3A_27, %gt3A : i32
      %convert_element_type3A = arith.extui %gt3A_30 : i1 to i32
      %cond3A = arith.constant 0 : i32
      %cond3A_31 = arith.cmpi ne, %convert_element_type3A, %cond3A : i32
      scf.if %cond3A_31 {
        %dma_wait3A_298 = arith.constant 0 : i32
        %dma_wait3A_299 = tpu.memref_slice %arg4[%dma_wait3A_298, %mul3A_2] : memref<12800x4096xf32, #tpu.memory_space<hbm>> -> memref<128x128xf32, #tpu.memory_space<hbm>>
        %dma_wait3A_300 = arith.constant 0 : i32
        %dma_wait3A_301 = tpu.memref_slice %arg4[%dma_wait3A_300, %mul3A_2] : memref<12800x4096xf32, #tpu.memory_space<hbm>> -> memref<128x128xf32, #tpu.memory_space<hbm>>
        tpu.wait_dma2 semaphore(%arg10 : memref<!tpu.dma_semaphore, #tpu.memory_space<semaphore_mem>>) src(%arg8 : memref<128x128xf32, #tpu.memory_space<vmem>>) dst(%dma_wait3A_301 : memref<128x128xf32, #tpu.memory_space<hbm>>)
      } else {
      }
      %mul3A_32 = arith.constant 2 : i32
      %mul3A_33 = arith.muli %mul3A_29, %mul3A_32 : i32
      %add3A_34 = arith.constant 0 : i32
      %add3A_35 = arith.addi %mul3A_33, %add3A_34 : i32
      %add3A_36 = arith.constant 0 : i32
      %add3A_37 = arith.addi %add3A_36, %add3A_35 : i32
      %add3A_38 = vector.broadcast %add3A_37 : i32 to vector<16xi32>
      %add3A_39 = arith.addi %mul3A_13, %add3A_38 : vector<16xi32>
      %gather3A = tpu.vector_load_idx %arg7[%add3A_39] : memref<25616xi32, #tpu.memory_space<vmem>>[vector<16xi32>], vector<16xi32>,
      %ne3A = arith.cmpi ne, %gather3A, %broadcast_in_dim3A_5 : vector<16xi32>
      %add3A_40 = arith.constant 3200 : i32
      %add3A_41 = arith.addi %add3A_40, %add3A_35 : i32
      %add3A_42 = vector.broadcast %add3A_41 : i32 to vector<16xi32>
      %add3A_43 = arith.addi %mul3A_13, %add3A_42 : vector<16xi32>
      %gather3A_44 = tpu.vector_load_idx %arg7[%add3A_43] : memref<25616xi32, #tpu.memory_space<vmem>>[vector<16xi32>], vector<16xi32>,
      %ne3A_45 = arith.cmpi ne, %gather3A_44, %broadcast_in_dim3A_5 : vector<16xi32>
      %add3A_46 = arith.constant 6400 : i32
      %add3A_47 = arith.addi %add3A_46, %add3A_35 : i32
      %add3A_48 = vector.broadcast %add3A_47 : i32 to vector<16xi32>
      %add3A_49 = arith.addi %mul3A_13, %add3A_48 : vector<16xi32>
      %gather3A_50 = tpu.vector_load_idx %arg7[%add3A_49] : memref<25616xi32, #tpu.memory_space<vmem>>[vector<16xi32>], vector<16xi32>,
      %ne3A_51 = arith.cmpi ne, %gather3A_50, %broadcast_in_dim3A_5 : vector<16xi32>
      %add3A_52 = arith.constant 9600 : i32
      %add3A_53 = arith.addi %add3A_52, %add3A_35 : i32
      %add3A_54 = vector.broadcast %add3A_53 : i32 to vector<16xi32>
      %add3A_55 = arith.addi %mul3A_13, %add3A_54 : vector<16xi32>
      %gather3A_56 = tpu.vector_load_idx %arg7[%add3A_55] : memref<25616xi32, #tpu.memory_space<vmem>>[vector<16xi32>], vector<16xi32>,
      %ne3A_57 = arith.cmpi ne, %gather3A_56, %broadcast_in_dim3A_5 : vector<16xi32>
      %add3A_58 = arith.constant 12800 : i32
      %add3A_59 = arith.addi %add3A_58, %add3A_35 : i32
      %add3A_60 = vector.broadcast %add3A_59 : i32 to vector<16xi32>
      %add3A_61 = arith.addi %mul3A_13, %add3A_60 : vector<16xi32>
      %gather3A_62 = tpu.vector_load_idx %arg7[%add3A_61] : memref<25616xi32, #tpu.memory_space<vmem>>[vector<16xi32>], vector<16xi32>,
      %ne3A_63 = arith.cmpi ne, %gather3A_62, %broadcast_in_dim3A_5 : vector<16xi32>
      %add3A_64 = arith.constant 16000 : i32
      %add3A_65 = arith.addi %add3A_64, %add3A_35 : i32
      %add3A_66 = vector.broadcast %add3A_65 : i32 to vector<16xi32>
      %add3A_67 = arith.addi %mul3A_13, %add3A_66 : vector<16xi32>
      %gather3A_68 = tpu.vector_load_idx %arg7[%add3A_67] : memref<25616xi32, #tpu.memory_space<vmem>>[vector<16xi32>], vector<16xi32>,
      %ne3A_69 = arith.cmpi ne, %gather3A_68, %broadcast_in_dim3A_5 : vector<16xi32>
      %add3A_70 = arith.constant 19200 : i32
      %add3A_71 = arith.addi %add3A_70, %add3A_35 : i32
      %add3A_72 = vector.broadcast %add3A_71 : i32 to vector<16xi32>
      %add3A_73 = arith.addi %mul3A_13, %add3A_72 : vector<16xi32>
      %gather3A_74 = tpu.vector_load_idx %arg7[%add3A_73] : memref<25616xi32, #tpu.memory_space<vmem>>[vector<16xi32>], vector<16xi32>,
      %ne3A_75 = arith.cmpi ne, %gather3A_74, %broadcast_in_dim3A_5 : vector<16xi32>
      %add3A_76 = arith.constant 22400 : i32
      %add3A_77 = arith.addi %add3A_76, %add3A_35 : i32
      %add3A_78 = vector.broadcast %add3A_77 : i32 to vector<16xi32>
      %add3A_79 = arith.addi %mul3A_13, %add3A_78 : vector<16xi32>
      %gather3A_80 = tpu.vector_load_idx %arg7[%add3A_79] : memref<25616xi32, #tpu.memory_space<vmem>>[vector<16xi32>], vector<16xi32>,
      %ne3A_81 = arith.cmpi ne, %gather3A_80, %broadcast_in_dim3A_5 : vector<16xi32>
      %add3A_82 = arith.constant 1 : i32
      %add3A_83 = arith.addi %add3A_35, %add3A_82 : i32
      %mul3A_84 = arith.constant 64 : i32
      %mul3A_85 = arith.muli %add3A_83, %mul3A_84 : i32
      %scan3A_86 = arith.constant 0 : i32
      %scan3A_87 = arith.constant 0 : i32
      %scan3A_88 = arith.constant 64 : i32
      %scan3A_89 = arith.addi %scan3A_87, %scan3A_88 : i32
      %scan3A_90 = arith.constant 4 : i32
      scf.for %scan3A_298 = %scan3A_87 to %scan3A_89 step %scan3A_90  : i32 {
        %add3A_299 = arith.addi %mul3A_85, %scan3A_298 : i32
        %broadcast_in_dim3A_300 = vector.broadcast %add3A_299 : i32 to vector<16xi32>
        %gather3A_301 = tpu.vector_load_idx %arg5[%broadcast_in_dim3A_300] : memref<12864xf32, #tpu.memory_space<vmem>>[vector<16xi32>], vector<16xf32>,
        %mul3A_302 = arith.constant 16 : i32
        %mul3A_303 = arith.muli %scan3A_298, %mul3A_302 : i32
        %get3A = arith.index_cast %mul3A_303 : i32 to index
        %get3A_304 = tpu.vector_load %arg6[%get3A] {strides = array<i32>} : memref<1024xf32, #tpu.memory_space<vmem>>, vector<16xf32>,
        %add3A_305 = arith.constant 0 : i32
        %add3A_306 = arith.addi %add3A_305, %scan3A_298 : i32
        %select_n3A = arith.select %ne3A, %gather3A_301, %get3A_304 : vector<16xi1>, vector<16xf32>
        %swap3A = arith.index_cast %add3A_306 : i32 to index
        %swap3A_307 = arith.constant 0 : index
        %swap3A_308 = tpu.vector_load %arg8[%swap3A, %swap3A_307] {strides = array<i32>} : memref<128x128xf32, #tpu.memory_space<vmem>>, vector<16xf32>,
        tpu.vector_store %arg8[%swap3A, %swap3A_307], %select_n3A {strides = array<i32>} : memref<128x128xf32, #tpu.memory_space<vmem>>, vector<16xf32>,
        %select_n3A_309 = arith.select %ne3A_45, %gather3A_301, %get3A_304 : vector<16xi1>, vector<16xf32>
        %swap3A_310 = arith.index_cast %add3A_306 : i32 to index
        %swap3A_311 = arith.constant 16 : index
        %swap3A_312 = tpu.vector_load %arg8[%swap3A_310, %swap3A_311] {strides = array<i32>} : memref<128x128xf32, #tpu.memory_space<vmem>>, vector<16xf32>,
        tpu.vector_store %arg8[%swap3A_310, %swap3A_311], %select_n3A_309 {strides = array<i32>} : memref<128x128xf32, #tpu.memory_space<vmem>>, vector<16xf32>,
        %select_n3A_313 = arith.select %ne3A_51, %gather3A_301, %get3A_304 : vector<16xi1>, vector<16xf32>
        %swap3A_314 = arith.index_cast %add3A_306 : i32 to index
        %swap3A_315 = arith.constant 32 : index
        %swap3A_316 = tpu.vector_load %arg8[%swap3A_314, %swap3A_315] {strides = array<i32>} : memref<128x128xf32, #tpu.memory_space<vmem>>, vector<16xf32>,
        tpu.vector_store %arg8[%swap3A_314, %swap3A_315], %select_n3A_313 {strides = array<i32>} : memref<128x128xf32, #tpu.memory_space<vmem>>, vector<16xf32>,
        %select_n3A_317 = arith.select %ne3A_57, %gather3A_301, %get3A_304 : vector<16xi1>, vector<16xf32>
        %swap3A_318 = arith.index_cast %add3A_306 : i32 to index
        %swap3A_319 = arith.constant 48 : index
        %swap3A_320 = tpu.vector_load %arg8[%swap3A_318, %swap3A_319] {strides = array<i32>} : memref<128x128xf32, #tpu.memory_space<vmem>>, vector<16xf32>,
        tpu.vector_store %arg8[%swap3A_318, %swap3A_319], %select_n3A_317 {strides = array<i32>} : memref<128x128xf32, #tpu.memory_space<vmem>>, vector<16xf32>,
        %select_n3A_321 = arith.select %ne3A_63, %gather3A_301, %get3A_304 : vector<16xi1>, vector<16xf32>
        %swap3A_322 = arith.index_cast %add3A_306 : i32 to index
        %swap3A_323 = arith.constant 64 : index
        %swap3A_324 = tpu.vector_load %arg8[%swap3A_322, %swap3A_323] {strides = array<i32>} : memref<128x128xf32, #tpu.memory_space<vmem>>, vector<16xf32>,
        tpu.vector_store %arg8[%swap3A_322, %swap3A_323], %select_n3A_321 {strides = array<i32>} : memref<128x128xf32, #tpu.memory_space<vmem>>, vector<16xf32>,
        %select_n3A_325 = arith.select %ne3A_69, %gather3A_301, %get3A_304 : vector<16xi1>, vector<16xf32>
        %swap3A_326 = arith.index_cast %add3A_306 : i32 to index
        %swap3A_327 = arith.constant 80 : index
        %swap3A_328 = tpu.vector_load %arg8[%swap3A_326, %swap3A_327] {strides = array<i32>} : memref<128x128xf32, #tpu.memory_space<vmem>>, vector<16xf32>,
        tpu.vector_store %arg8[%swap3A_326, %swap3A_327], %select_n3A_325 {strides = array<i32>} : memref<128x128xf32, #tpu.memory_space<vmem>>, vector<16xf32>,
        %select_n3A_329 = arith.select %ne3A_75, %gather3A_301, %get3A_304 : vector<16xi1>, vector<16xf32>
        %swap3A_330 = arith.index_cast %add3A_306 : i32 to index
        %swap3A_331 = arith.constant 96 : index
        %swap3A_332 = tpu.vector_load %arg8[%swap3A_330, %swap3A_331] {strides = array<i32>} : memref<128x128xf32, #tpu.memory_space<vmem>>, vector<16xf32>,
        tpu.vector_store %arg8[%swap3A_330, %swap3A_331], %select_n3A_329 {strides = array<i32>} : memref<128x128xf32, #tpu.memory_space<vmem>>, vector<16xf32>,
        %select_n3A_333 = arith.select %ne3A_81, %gather3A_301, %get3A_304 : vector<16xi1>, vector<16xf32>
        %swap3A_334 = arith.index_cast %add3A_306 : i32 to index
        %swap3A_335 = arith.constant 112 : index
        %swap3A_336 = tpu.vector_load %arg8[%swap3A_334, %swap3A_335] {strides = array<i32>} : memref<128x128xf32, #tpu.memory_space<vmem>>, vector<16xf32>,
        tpu.vector_store %arg8[%swap3A_334, %swap3A_335], %select_n3A_333 {strides = array<i32>} : memref<128x128xf32, #tpu.memory_space<vmem>>, vector<16xf32>,
        %scan3A_337 = arith.constant 1 : i32
        %scan3A_338 = arith.addi %scan3A_298, %scan3A_337 : i32
        %add3A_339 = arith.addi %mul3A_85, %scan3A_338 : i32
        %broadcast_in_dim3A_340 = vector.broadcast %add3A_339 : i32 to vector<16xi32>
        %gather3A_341 = tpu.vector_load_idx %arg5[%broadcast_in_dim3A_340] : memref<12864xf32, #tpu.memory_space<vmem>>[vector<16xi32>], vector<16xf32>,
        %mul3A_342 = arith.constant 16 : i32
        %mul3A_343 = arith.muli %scan3A_338, %mul3A_342 : i32
        %get3A_344 = arith.index_cast %mul3A_343 : i32 to index
        %get3A_345 = tpu.vector_load %arg6[%get3A_344] {strides = array<i32>} : memref<1024xf32, #tpu.memory_space<vmem>>, vector<16xf32>,
        %add3A_346 = arith.constant 0 : i32
        %add3A_347 = arith.addi %add3A_346, %scan3A_338 : i32
        %select_n3A_348 = arith.select %ne3A, %gather3A_341, %get3A_345 : vector<16xi1>, vector<16xf32>
        %swap3A_349 = arith.index_cast %add3A_347 : i32 to index
        %swap3A_350 = arith.constant 0 : index
        %swap3A_351 = tpu.vector_load %arg8[%swap3A_349, %swap3A_350] {strides = array<i32>} : memref<128x128xf32, #tpu.memory_space<vmem>>, vector<16xf32>,
        tpu.vector_store %arg8[%swap3A_349, %swap3A_350], %select_n3A_348 {strides = array<i32>} : memref<128x128xf32, #tpu.memory_space<vmem>>, vector<16xf32>,
        %select_n3A_352 = arith.select %ne3A_45, %gather3A_341, %get3A_345 : vector<16xi1>, vector<16xf32>
        %swap3A_353 = arith.index_cast %add3A_347 : i32 to index
        %swap3A_354 = arith.constant 16 : index
        %swap3A_355 = tpu.vector_load %arg8[%swap3A_353, %swap3A_354] {strides = array<i32>} : memref<128x128xf32, #tpu.memory_space<vmem>>, vector<16xf32>,
        tpu.vector_store %arg8[%swap3A_353, %swap3A_354], %select_n3A_352 {strides = array<i32>} : memref<128x128xf32, #tpu.memory_space<vmem>>, vector<16xf32>,
        %select_n3A_356 = arith.select %ne3A_51, %gather3A_341, %get3A_345 : vector<16xi1>, vector<16xf32>
        %swap3A_357 = arith.index_cast %add3A_347 : i32 to index
        %swap3A_358 = arith.constant 32 : index
        %swap3A_359 = tpu.vector_load %arg8[%swap3A_357, %swap3A_358] {strides = array<i32>} : memref<128x128xf32, #tpu.memory_space<vmem>>, vector<16xf32>,
        tpu.vector_store %arg8[%swap3A_357, %swap3A_358], %select_n3A_356 {strides = array<i32>} : memref<128x128xf32, #tpu.memory_space<vmem>>, vector<16xf32>,
        %select_n3A_360 = arith.select %ne3A_57, %gather3A_341, %get3A_345 : vector<16xi1>, vector<16xf32>
        %swap3A_361 = arith.index_cast %add3A_347 : i32 to index
        %swap3A_362 = arith.constant 48 : index
        %swap3A_363 = tpu.vector_load %arg8[%swap3A_361, %swap3A_362] {strides = array<i32>} : memref<128x128xf32, #tpu.memory_space<vmem>>, vector<16xf32>,
        tpu.vector_store %arg8[%swap3A_361, %swap3A_362], %select_n3A_360 {strides = array<i32>} : memref<128x128xf32, #tpu.memory_space<vmem>>, vector<16xf32>,
        %select_n3A_364 = arith.select %ne3A_63, %gather3A_341, %get3A_345 : vector<16xi1>, vector<16xf32>
        %swap3A_365 = arith.index_cast %add3A_347 : i32 to index
        %swap3A_366 = arith.constant 64 : index
        %swap3A_367 = tpu.vector_load %arg8[%swap3A_365, %swap3A_366] {strides = array<i32>} : memref<128x128xf32, #tpu.memory_space<vmem>>, vector<16xf32>,
        tpu.vector_store %arg8[%swap3A_365, %swap3A_366], %select_n3A_364 {strides = array<i32>} : memref<128x128xf32, #tpu.memory_space<vmem>>, vector<16xf32>,
        %select_n3A_368 = arith.select %ne3A_69, %gather3A_341, %get3A_345 : vector<16xi1>, vector<16xf32>
        %swap3A_369 = arith.index_cast %add3A_347 : i32 to index
        %swap3A_370 = arith.constant 80 : index
        %swap3A_371 = tpu.vector_load %arg8[%swap3A_369, %swap3A_370] {strides = array<i32>} : memref<128x128xf32, #tpu.memory_space<vmem>>, vector<16xf32>,
        tpu.vector_store %arg8[%swap3A_369, %swap3A_370], %select_n3A_368 {strides = array<i32>} : memref<128x128xf32, #tpu.memory_space<vmem>>, vector<16xf32>,
        %select_n3A_372 = arith.select %ne3A_75, %gather3A_341, %get3A_345 : vector<16xi1>, vector<16xf32>
        %swap3A_373 = arith.index_cast %add3A_347 : i32 to index
        %swap3A_374 = arith.constant 96 : index
        %swap3A_375 = tpu.vector_load %arg8[%swap3A_373, %swap3A_374] {strides = array<i32>} : memref<128x128xf32, #tpu.memory_space<vmem>>, vector<16xf32>,
        tpu.vector_store %arg8[%swap3A_373, %swap3A_374], %select_n3A_372 {strides = array<i32>} : memref<128x128xf32, #tpu.memory_space<vmem>>, vector<16xf32>,
        %select_n3A_376 = arith.select %ne3A_81, %gather3A_341, %get3A_345 : vector<16xi1>, vector<16xf32>
        %swap3A_377 = arith.index_cast %add3A_347 : i32 to index
        %swap3A_378 = arith.constant 112 : index
        %swap3A_379 = tpu.vector_load %arg8[%swap3A_377, %swap3A_378] {strides = array<i32>} : memref<128x128xf32, #tpu.memory_space<vmem>>, vector<16xf32>,
        tpu.vector_store %arg8[%swap3A_377, %swap3A_378], %select_n3A_376 {strides = array<i32>} : memref<128x128xf32, #tpu.memory_space<vmem>>, vector<16xf32>,
        %scan3A_380 = arith.constant 2 : i32
        %scan3A_381 = arith.addi %scan3A_298, %scan3A_380 : i32
        %add3A_382 = arith.addi %mul3A_85, %scan3A_381 : i32
        %broadcast_in_dim3A_383 = vector.broadcast %add3A_382 : i32 to vector<16xi32>
        %gather3A_384 = tpu.vector_load_idx %arg5[%broadcast_in_dim3A_383] : memref<12864xf32, #tpu.memory_space<vmem>>[vector<16xi32>], vector<16xf32>,
        %mul3A_385 = arith.constant 16 : i32
        %mul3A_386 = arith.muli %scan3A_381, %mul3A_385 : i32
        %get3A_387 = arith.index_cast %mul3A_386 : i32 to index
        %get3A_388 = tpu.vector_load %arg6[%get3A_387] {strides = array<i32>} : memref<1024xf32, #tpu.memory_space<vmem>>, vector<16xf32>,
        %add3A_389 = arith.constant 0 : i32
        %add3A_390 = arith.addi %add3A_389, %scan3A_381 : i32
        %select_n3A_391 = arith.select %ne3A, %gather3A_384, %get3A_388 : vector<16xi1>, vector<16xf32>
        %swap3A_392 = arith.index_cast %add3A_390 : i32 to index
        %swap3A_393 = arith.constant 0 : index
        %swap3A_394 = tpu.vector_load %arg8[%swap3A_392, %swap3A_393] {strides = array<i32>} : memref<128x128xf32, #tpu.memory_space<vmem>>, vector<16xf32>,
        tpu.vector_store %arg8[%swap3A_392, %swap3A_393], %select_n3A_391 {strides = array<i32>} : memref<128x128xf32, #tpu.memory_space<vmem>>, vector<16xf32>,
        %select_n3A_395 = arith.select %ne3A_45, %gather3A_384, %get3A_388 : vector<16xi1>, vector<16xf32>
        %swap3A_396 = arith.index_cast %add3A_390 : i32 to index
        %swap3A_397 = arith.constant 16 : index
        %swap3A_398 = tpu.vector_load %arg8[%swap3A_396, %swap3A_397] {strides = array<i32>} : memref<128x128xf32, #tpu.memory_space<vmem>>, vector<16xf32>,
        tpu.vector_store %arg8[%swap3A_396, %swap3A_397], %select_n3A_395 {strides = array<i32>} : memref<128x128xf32, #tpu.memory_space<vmem>>, vector<16xf32>,
        %select_n3A_399 = arith.select %ne3A_51, %gather3A_384, %get3A_388 : vector<16xi1>, vector<16xf32>
        %swap3A_400 = arith.index_cast %add3A_390 : i32 to index
        %swap3A_401 = arith.constant 32 : index
        %swap3A_402 = tpu.vector_load %arg8[%swap3A_400, %swap3A_401] {strides = array<i32>} : memref<128x128xf32, #tpu.memory_space<vmem>>, vector<16xf32>,
        tpu.vector_store %arg8[%swap3A_400, %swap3A_401], %select_n3A_399 {strides = array<i32>} : memref<128x128xf32, #tpu.memory_space<vmem>>, vector<16xf32>,
        %select_n3A_403 = arith.select %ne3A_57, %gather3A_384, %get3A_388 : vector<16xi1>, vector<16xf32>
        %swap3A_404 = arith.index_cast %add3A_390 : i32 to index
        %swap3A_405 = arith.constant 48 : index
        %swap3A_406 = tpu.vector_load %arg8[%swap3A_404, %swap3A_405] {strides = array<i32>} : memref<128x128xf32, #tpu.memory_space<vmem>>, vector<16xf32>,
        tpu.vector_store %arg8[%swap3A_404, %swap3A_405], %select_n3A_403 {strides = array<i32>} : memref<128x128xf32, #tpu.memory_space<vmem>>, vector<16xf32>,
        %select_n3A_407 = arith.select %ne3A_63, %gather3A_384, %get3A_388 : vector<16xi1>, vector<16xf32>
        %swap3A_408 = arith.index_cast %add3A_390 : i32 to index
        %swap3A_409 = arith.constant 64 : index
        %swap3A_410 = tpu.vector_load %arg8[%swap3A_408, %swap3A_409] {strides = array<i32>} : memref<128x128xf32, #tpu.memory_space<vmem>>, vector<16xf32>,
        tpu.vector_store %arg8[%swap3A_408, %swap3A_409], %select_n3A_407 {strides = array<i32>} : memref<128x128xf32, #tpu.memory_space<vmem>>, vector<16xf32>,
        %select_n3A_411 = arith.select %ne3A_69, %gather3A_384, %get3A_388 : vector<16xi1>, vector<16xf32>
        %swap3A_412 = arith.index_cast %add3A_390 : i32 to index
        %swap3A_413 = arith.constant 80 : index
        %swap3A_414 = tpu.vector_load %arg8[%swap3A_412, %swap3A_413] {strides = array<i32>} : memref<128x128xf32, #tpu.memory_space<vmem>>, vector<16xf32>,
        tpu.vector_store %arg8[%swap3A_412, %swap3A_413], %select_n3A_411 {strides = array<i32>} : memref<128x128xf32, #tpu.memory_space<vmem>>, vector<16xf32>,
        %select_n3A_415 = arith.select %ne3A_75, %gather3A_384, %get3A_388 : vector<16xi1>, vector<16xf32>
        %swap3A_416 = arith.index_cast %add3A_390 : i32 to index
        %swap3A_417 = arith.constant 96 : index
        %swap3A_418 = tpu.vector_load %arg8[%swap3A_416, %swap3A_417] {strides = array<i32>} : memref<128x128xf32, #tpu.memory_space<vmem>>, vector<16xf32>,
        tpu.vector_store %arg8[%swap3A_416, %swap3A_417], %select_n3A_415 {strides = array<i32>} : memref<128x128xf32, #tpu.memory_space<vmem>>, vector<16xf32>,
        %select_n3A_419 = arith.select %ne3A_81, %gather3A_384, %get3A_388 : vector<16xi1>, vector<16xf32>
        %swap3A_420 = arith.index_cast %add3A_390 : i32 to index
        %swap3A_421 = arith.constant 112 : index
        %swap3A_422 = tpu.vector_load %arg8[%swap3A_420, %swap3A_421] {strides = array<i32>} : memref<128x128xf32, #tpu.memory_space<vmem>>, vector<16xf32>,
        tpu.vector_store %arg8[%swap3A_420, %swap3A_421], %select_n3A_419 {strides = array<i32>} : memref<128x128xf32, #tpu.memory_space<vmem>>, vector<16xf32>,
        %scan3A_423 = arith.constant 3 : i32
        %scan3A_424 = arith.addi %scan3A_298, %scan3A_423 : i32
        %add3A_425 = arith.addi %mul3A_85, %scan3A_424 : i32
        %broadcast_in_dim3A_426 = vector.broadcast %add3A_425 : i32 to vector<16xi32>
        %gather3A_427 = tpu.vector_load_idx %arg5[%broadcast_in_dim3A_426] : memref<12864xf32, #tpu.memory_space<vmem>>[vector<16xi32>], vector<16xf32>,
        %mul3A_428 = arith.constant 16 : i32
        %mul3A_429 = arith.muli %scan3A_424, %mul3A_428 : i32
        %get3A_430 = arith.index_cast %mul3A_429 : i32 to index
        %get3A_431 = tpu.vector_load %arg6[%get3A_430] {strides = array<i32>} : memref<1024xf32, #tpu.memory_space<vmem>>, vector<16xf32>,
        %add3A_432 = arith.constant 0 : i32
        %add3A_433 = arith.addi %add3A_432, %scan3A_424 : i32
        %select_n3A_434 = arith.select %ne3A, %gather3A_427, %get3A_431 : vector<16xi1>, vector<16xf32>
        %swap3A_435 = arith.index_cast %add3A_433 : i32 to index
        %swap3A_436 = arith.constant 0 : index
        %swap3A_437 = tpu.vector_load %arg8[%swap3A_435, %swap3A_436] {strides = array<i32>} : memref<128x128xf32, #tpu.memory_space<vmem>>, vector<16xf32>,
        tpu.vector_store %arg8[%swap3A_435, %swap3A_436], %select_n3A_434 {strides = array<i32>} : memref<128x128xf32, #tpu.memory_space<vmem>>, vector<16xf32>,
        %select_n3A_438 = arith.select %ne3A_45, %gather3A_427, %get3A_431 : vector<16xi1>, vector<16xf32>
        %swap3A_439 = arith.index_cast %add3A_433 : i32 to index
        %swap3A_440 = arith.constant 16 : index
        %swap3A_441 = tpu.vector_load %arg8[%swap3A_439, %swap3A_440] {strides = array<i32>} : memref<128x128xf32, #tpu.memory_space<vmem>>, vector<16xf32>,
        tpu.vector_store %arg8[%swap3A_439, %swap3A_440], %select_n3A_438 {strides = array<i32>} : memref<128x128xf32, #tpu.memory_space<vmem>>, vector<16xf32>,
        %select_n3A_442 = arith.select %ne3A_51, %gather3A_427, %get3A_431 : vector<16xi1>, vector<16xf32>
        %swap3A_443 = arith.index_cast %add3A_433 : i32 to index
        %swap3A_444 = arith.constant 32 : index
        %swap3A_445 = tpu.vector_load %arg8[%swap3A_443, %swap3A_444] {strides = array<i32>} : memref<128x128xf32, #tpu.memory_space<vmem>>, vector<16xf32>,
        tpu.vector_store %arg8[%swap3A_443, %swap3A_444], %select_n3A_442 {strides = array<i32>} : memref<128x128xf32, #tpu.memory_space<vmem>>, vector<16xf32>,
        %select_n3A_446 = arith.select %ne3A_57, %gather3A_427, %get3A_431 : vector<16xi1>, vector<16xf32>
        %swap3A_447 = arith.index_cast %add3A_433 : i32 to index
        %swap3A_448 = arith.constant 48 : index
        %swap3A_449 = tpu.vector_load %arg8[%swap3A_447, %swap3A_448] {strides = array<i32>} : memref<128x128xf32, #tpu.memory_space<vmem>>, vector<16xf32>,
        tpu.vector_store %arg8[%swap3A_447, %swap3A_448], %select_n3A_446 {strides = array<i32>} : memref<128x128xf32, #tpu.memory_space<vmem>>, vector<16xf32>,
        %select_n3A_450 = arith.select %ne3A_63, %gather3A_427, %get3A_431 : vector<16xi1>, vector<16xf32>
        %swap3A_451 = arith.index_cast %add3A_433 : i32 to index
        %swap3A_452 = arith.constant 64 : index
        %swap3A_453 = tpu.vector_load %arg8[%swap3A_451, %swap3A_452] {strides = array<i32>} : memref<128x128xf32, #tpu.memory_space<vmem>>, vector<16xf32>,
        tpu.vector_store %arg8[%swap3A_451, %swap3A_452], %select_n3A_450 {strides = array<i32>} : memref<128x128xf32, #tpu.memory_space<vmem>>, vector<16xf32>,
        %select_n3A_454 = arith.select %ne3A_69, %gather3A_427, %get3A_431 : vector<16xi1>, vector<16xf32>
        %swap3A_455 = arith.index_cast %add3A_433 : i32 to index
        %swap3A_456 = arith.constant 80 : index
        %swap3A_457 = tpu.vector_load %arg8[%swap3A_455, %swap3A_456] {strides = array<i32>} : memref<128x128xf32, #tpu.memory_space<vmem>>, vector<16xf32>,
        tpu.vector_store %arg8[%swap3A_455, %swap3A_456], %select_n3A_454 {strides = array<i32>} : memref<128x128xf32, #tpu.memory_space<vmem>>, vector<16xf32>,
        %select_n3A_458 = arith.select %ne3A_75, %gather3A_427, %get3A_431 : vector<16xi1>, vector<16xf32>
        %swap3A_459 = arith.index_cast %add3A_433 : i32 to index
        %swap3A_460 = arith.constant 96 : index
        %swap3A_461 = tpu.vector_load %arg8[%swap3A_459, %swap3A_460] {strides = array<i32>} : memref<128x128xf32, #tpu.memory_space<vmem>>, vector<16xf32>,
        tpu.vector_store %arg8[%swap3A_459, %swap3A_460], %select_n3A_458 {strides = array<i32>} : memref<128x128xf32, #tpu.memory_space<vmem>>, vector<16xf32>,
        %select_n3A_462 = arith.select %ne3A_81, %gather3A_427, %get3A_431 : vector<16xi1>, vector<16xf32>
        %swap3A_463 = arith.index_cast %add3A_433 : i32 to index
        %swap3A_464 = arith.constant 112 : index
        %swap3A_465 = tpu.vector_load %arg8[%swap3A_463, %swap3A_464] {strides = array<i32>} : memref<128x128xf32, #tpu.memory_space<vmem>>, vector<16xf32>,
        tpu.vector_store %arg8[%swap3A_463, %swap3A_464], %select_n3A_462 {strides = array<i32>} : memref<128x128xf32, #tpu.memory_space<vmem>>, vector<16xf32>,
      }
      %scan3A_91 = arith.constant 64 : i32
      %mul3A_92 = arith.constant 2 : i32
      %mul3A_93 = arith.muli %mul3A_29, %mul3A_92 : i32
      %add3A_94 = arith.constant 1 : i32
      %add3A_95 = arith.addi %mul3A_93, %add3A_94 : i32
      %add3A_96 = arith.constant 0 : i32
      %add3A_97 = arith.addi %add3A_96, %add3A_95 : i32
      %add3A_98 = vector.broadcast %add3A_97 : i32 to vector<16xi32>
      %add3A_99 = arith.addi %mul3A_13, %add3A_98 : vector<16xi32>
      %gather3A_100 = tpu.vector_load_idx %arg7[%add3A_99] : memref<25616xi32, #tpu.memory_space<vmem>>[vector<16xi32>], vector<16xi32>,
      %ne3A_101 = arith.cmpi ne, %gather3A_100, %broadcast_in_dim3A_5 : vector<16xi32>
      %add3A_102 = arith.constant 3200 : i32
      %add3A_103 = arith.addi %add3A_102, %add3A_95 : i32
      %add3A_104 = vector.broadcast %add3A_103 : i32 to vector<16xi32>
      %add3A_105 = arith.addi %mul3A_13, %add3A_104 : vector<16xi32>
      %gather3A_106 = tpu.vector_load_idx %arg7[%add3A_105] : memref<25616xi32, #tpu.memory_space<vmem>>[vector<16xi32>], vector<16xi32>,
      %ne3A_107 = arith.cmpi ne, %gather3A_106, %broadcast_in_dim3A_5 : vector<16xi32>
      %add3A_108 = arith.constant 6400 : i32
      %add3A_109 = arith.addi %add3A_108, %add3A_95 : i32
      %add3A_110 = vector.broadcast %add3A_109 : i32 to vector<16xi32>
      %add3A_111 = arith.addi %mul3A_13, %add3A_110 : vector<16xi32>
      %gather3A_112 = tpu.vector_load_idx %arg7[%add3A_111] : memref<25616xi32, #tpu.memory_space<vmem>>[vector<16xi32>], vector<16xi32>,
      %ne3A_113 = arith.cmpi ne, %gather3A_112, %broadcast_in_dim3A_5 : vector<16xi32>
      %add3A_114 = arith.constant 9600 : i32
      %add3A_115 = arith.addi %add3A_114, %add3A_95 : i32
      %add3A_116 = vector.broadcast %add3A_115 : i32 to vector<16xi32>
      %add3A_117 = arith.addi %mul3A_13, %add3A_116 : vector<16xi32>
      %gather3A_118 = tpu.vector_load_idx %arg7[%add3A_117] : memref<25616xi32, #tpu.memory_space<vmem>>[vector<16xi32>], vector<16xi32>,
      %ne3A_119 = arith.cmpi ne, %gather3A_118, %broadcast_in_dim3A_5 : vector<16xi32>
      %add3A_120 = arith.constant 12800 : i32
      %add3A_121 = arith.addi %add3A_120, %add3A_95 : i32
      %add3A_122 = vector.broadcast %add3A_121 : i32 to vector<16xi32>
      %add3A_123 = arith.addi %mul3A_13, %add3A_122 : vector<16xi32>
      %gather3A_124 = tpu.vector_load_idx %arg7[%add3A_123] : memref<25616xi32, #tpu.memory_space<vmem>>[vector<16xi32>], vector<16xi32>,
      %ne3A_125 = arith.cmpi ne, %gather3A_124, %broadcast_in_dim3A_5 : vector<16xi32>
      %add3A_126 = arith.constant 16000 : i32
      %add3A_127 = arith.addi %add3A_126, %add3A_95 : i32
      %add3A_128 = vector.broadcast %add3A_127 : i32 to vector<16xi32>
      %add3A_129 = arith.addi %mul3A_13, %add3A_128 : vector<16xi32>
      %gather3A_130 = tpu.vector_load_idx %arg7[%add3A_129] : memref<25616xi32, #tpu.memory_space<vmem>>[vector<16xi32>], vector<16xi32>,
      %ne3A_131 = arith.cmpi ne, %gather3A_130, %broadcast_in_dim3A_5 : vector<16xi32>
      %add3A_132 = arith.constant 19200 : i32
      %add3A_133 = arith.addi %add3A_132, %add3A_95 : i32
      %add3A_134 = vector.broadcast %add3A_133 : i32 to vector<16xi32>
      %add3A_135 = arith.addi %mul3A_13, %add3A_134 : vector<16xi32>
      %gather3A_136 = tpu.vector_load_idx %arg7[%add3A_135] : memref<25616xi32, #tpu.memory_space<vmem>>[vector<16xi32>], vector<16xi32>,
      %ne3A_137 = arith.cmpi ne, %gather3A_136, %broadcast_in_dim3A_5 : vector<16xi32>
      %add3A_138 = arith.constant 22400 : i32
      %add3A_139 = arith.addi %add3A_138, %add3A_95 : i32
      %add3A_140 = vector.broadcast %add3A_139 : i32 to vector<16xi32>
      %add3A_141 = arith.addi %mul3A_13, %add3A_140 : vector<16xi32>
      %gather3A_142 = tpu.vector_load_idx %arg7[%add3A_141] : memref<25616xi32, #tpu.memory_space<vmem>>[vector<16xi32>], vector<16xi32>,
      %ne3A_143 = arith.cmpi ne, %gather3A_142, %broadcast_in_dim3A_5 : vector<16xi32>
      %add3A_144 = arith.constant 1 : i32
      %add3A_145 = arith.addi %add3A_95, %add3A_144 : i32
      %mul3A_146 = arith.constant 64 : i32
      %mul3A_147 = arith.muli %add3A_145, %mul3A_146 : i32
      %scan3A_148 = arith.constant 0 : i32
      %scan3A_149 = arith.constant 0 : i32
      %scan3A_150 = arith.constant 64 : i32
      %scan3A_151 = arith.addi %scan3A_149, %scan3A_150 : i32
      %scan3A_152 = arith.constant 4 : i32
      scf.for %scan3A_298 = %scan3A_149 to %scan3A_151 step %scan3A_152  : i32 {
        %add3A_299 = arith.addi %mul3A_147, %scan3A_298 : i32
        %broadcast_in_dim3A_300 = vector.broadcast %add3A_299 : i32 to vector<16xi32>
        %gather3A_301 = tpu.vector_load_idx %arg5[%broadcast_in_dim3A_300] : memref<12864xf32, #tpu.memory_space<vmem>>[vector<16xi32>], vector<16xf32>,
        %mul3A_302 = arith.constant 16 : i32
        %mul3A_303 = arith.muli %scan3A_298, %mul3A_302 : i32
        %get3A = arith.index_cast %mul3A_303 : i32 to index
        %get3A_304 = tpu.vector_load %arg6[%get3A] {strides = array<i32>} : memref<1024xf32, #tpu.memory_space<vmem>>, vector<16xf32>,
        %add3A_305 = arith.constant 64 : i32
        %add3A_306 = arith.addi %add3A_305, %scan3A_298 : i32
        %select_n3A = arith.select %ne3A_101, %gather3A_301, %get3A_304 : vector<16xi1>, vector<16xf32>
        %swap3A = arith.index_cast %add3A_306 : i32 to index
        %swap3A_307 = arith.constant 0 : index
        %swap3A_308 = tpu.vector_load %arg8[%swap3A, %swap3A_307] {strides = array<i32>} : memref<128x128xf32, #tpu.memory_space<vmem>>, vector<16xf32>,
        tpu.vector_store %arg8[%swap3A, %swap3A_307], %select_n3A {strides = array<i32>} : memref<128x128xf32, #tpu.memory_space<vmem>>, vector<16xf32>,
        %select_n3A_309 = arith.select %ne3A_107, %gather3A_301, %get3A_304 : vector<16xi1>, vector<16xf32>
        %swap3A_310 = arith.index_cast %add3A_306 : i32 to index
        %swap3A_311 = arith.constant 16 : index
        %swap3A_312 = tpu.vector_load %arg8[%swap3A_310, %swap3A_311] {strides = array<i32>} : memref<128x128xf32, #tpu.memory_space<vmem>>, vector<16xf32>,
        tpu.vector_store %arg8[%swap3A_310, %swap3A_311], %select_n3A_309 {strides = array<i32>} : memref<128x128xf32, #tpu.memory_space<vmem>>, vector<16xf32>,
        %select_n3A_313 = arith.select %ne3A_113, %gather3A_301, %get3A_304 : vector<16xi1>, vector<16xf32>
        %swap3A_314 = arith.index_cast %add3A_306 : i32 to index
        %swap3A_315 = arith.constant 32 : index
        %swap3A_316 = tpu.vector_load %arg8[%swap3A_314, %swap3A_315] {strides = array<i32>} : memref<128x128xf32, #tpu.memory_space<vmem>>, vector<16xf32>,
        tpu.vector_store %arg8[%swap3A_314, %swap3A_315], %select_n3A_313 {strides = array<i32>} : memref<128x128xf32, #tpu.memory_space<vmem>>, vector<16xf32>,
        %select_n3A_317 = arith.select %ne3A_119, %gather3A_301, %get3A_304 : vector<16xi1>, vector<16xf32>
        %swap3A_318 = arith.index_cast %add3A_306 : i32 to index
        %swap3A_319 = arith.constant 48 : index
        %swap3A_320 = tpu.vector_load %arg8[%swap3A_318, %swap3A_319] {strides = array<i32>} : memref<128x128xf32, #tpu.memory_space<vmem>>, vector<16xf32>,
        tpu.vector_store %arg8[%swap3A_318, %swap3A_319], %select_n3A_317 {strides = array<i32>} : memref<128x128xf32, #tpu.memory_space<vmem>>, vector<16xf32>,
        %select_n3A_321 = arith.select %ne3A_125, %gather3A_301, %get3A_304 : vector<16xi1>, vector<16xf32>
        %swap3A_322 = arith.index_cast %add3A_306 : i32 to index
        %swap3A_323 = arith.constant 64 : index
        %swap3A_324 = tpu.vector_load %arg8[%swap3A_322, %swap3A_323] {strides = array<i32>} : memref<128x128xf32, #tpu.memory_space<vmem>>, vector<16xf32>,
        tpu.vector_store %arg8[%swap3A_322, %swap3A_323], %select_n3A_321 {strides = array<i32>} : memref<128x128xf32, #tpu.memory_space<vmem>>, vector<16xf32>,
        %select_n3A_325 = arith.select %ne3A_131, %gather3A_301, %get3A_304 : vector<16xi1>, vector<16xf32>
        %swap3A_326 = arith.index_cast %add3A_306 : i32 to index
        %swap3A_327 = arith.constant 80 : index
        %swap3A_328 = tpu.vector_load %arg8[%swap3A_326, %swap3A_327] {strides = array<i32>} : memref<128x128xf32, #tpu.memory_space<vmem>>, vector<16xf32>,
        tpu.vector_store %arg8[%swap3A_326, %swap3A_327], %select_n3A_325 {strides = array<i32>} : memref<128x128xf32, #tpu.memory_space<vmem>>, vector<16xf32>,
        %select_n3A_329 = arith.select %ne3A_137, %gather3A_301, %get3A_304 : vector<16xi1>, vector<16xf32>
        %swap3A_330 = arith.index_cast %add3A_306 : i32 to index
        %swap3A_331 = arith.constant 96 : index
        %swap3A_332 = tpu.vector_load %arg8[%swap3A_330, %swap3A_331] {strides = array<i32>} : memref<128x128xf32, #tpu.memory_space<vmem>>, vector<16xf32>,
        tpu.vector_store %arg8[%swap3A_330, %swap3A_331], %select_n3A_329 {strides = array<i32>} : memref<128x128xf32, #tpu.memory_space<vmem>>, vector<16xf32>,
        %select_n3A_333 = arith.select %ne3A_143, %gather3A_301, %get3A_304 : vector<16xi1>, vector<16xf32>
        %swap3A_334 = arith.index_cast %add3A_306 : i32 to index
        %swap3A_335 = arith.constant 112 : index
        %swap3A_336 = tpu.vector_load %arg8[%swap3A_334, %swap3A_335] {strides = array<i32>} : memref<128x128xf32, #tpu.memory_space<vmem>>, vector<16xf32>,
        tpu.vector_store %arg8[%swap3A_334, %swap3A_335], %select_n3A_333 {strides = array<i32>} : memref<128x128xf32, #tpu.memory_space<vmem>>, vector<16xf32>,
        %scan3A_337 = arith.constant 1 : i32
        %scan3A_338 = arith.addi %scan3A_298, %scan3A_337 : i32
        %add3A_339 = arith.addi %mul3A_147, %scan3A_338 : i32
        %broadcast_in_dim3A_340 = vector.broadcast %add3A_339 : i32 to vector<16xi32>
        %gather3A_341 = tpu.vector_load_idx %arg5[%broadcast_in_dim3A_340] : memref<12864xf32, #tpu.memory_space<vmem>>[vector<16xi32>], vector<16xf32>,
        %mul3A_342 = arith.constant 16 : i32
        %mul3A_343 = arith.muli %scan3A_338, %mul3A_342 : i32
        %get3A_344 = arith.index_cast %mul3A_343 : i32 to index
        %get3A_345 = tpu.vector_load %arg6[%get3A_344] {strides = array<i32>} : memref<1024xf32, #tpu.memory_space<vmem>>, vector<16xf32>,
        %add3A_346 = arith.constant 64 : i32
        %add3A_347 = arith.addi %add3A_346, %scan3A_338 : i32
        %select_n3A_348 = arith.select %ne3A_101, %gather3A_341, %get3A_345 : vector<16xi1>, vector<16xf32>
        %swap3A_349 = arith.index_cast %add3A_347 : i32 to index
        %swap3A_350 = arith.constant 0 : index
        %swap3A_351 = tpu.vector_load %arg8[%swap3A_349, %swap3A_350] {strides = array<i32>} : memref<128x128xf32, #tpu.memory_space<vmem>>, vector<16xf32>,
        tpu.vector_store %arg8[%swap3A_349, %swap3A_350], %select_n3A_348 {strides = array<i32>} : memref<128x128xf32, #tpu.memory_space<vmem>>, vector<16xf32>,
        %select_n3A_352 = arith.select %ne3A_107, %gather3A_341, %get3A_345 : vector<16xi1>, vector<16xf32>
        %swap3A_353 = arith.index_cast %add3A_347 : i32 to index
        %swap3A_354 = arith.constant 16 : index
        %swap3A_355 = tpu.vector_load %arg8[%swap3A_353, %swap3A_354] {strides = array<i32>} : memref<128x128xf32, #tpu.memory_space<vmem>>, vector<16xf32>,
        tpu.vector_store %arg8[%swap3A_353, %swap3A_354], %select_n3A_352 {strides = array<i32>} : memref<128x128xf32, #tpu.memory_space<vmem>>, vector<16xf32>,
        %select_n3A_356 = arith.select %ne3A_113, %gather3A_341, %get3A_345 : vector<16xi1>, vector<16xf32>
        %swap3A_357 = arith.index_cast %add3A_347 : i32 to index
        %swap3A_358 = arith.constant 32 : index
        %swap3A_359 = tpu.vector_load %arg8[%swap3A_357, %swap3A_358] {strides = array<i32>} : memref<128x128xf32, #tpu.memory_space<vmem>>, vector<16xf32>,
        tpu.vector_store %arg8[%swap3A_357, %swap3A_358], %select_n3A_356 {strides = array<i32>} : memref<128x128xf32, #tpu.memory_space<vmem>>, vector<16xf32>,
        %select_n3A_360 = arith.select %ne3A_119, %gather3A_341, %get3A_345 : vector<16xi1>, vector<16xf32>
        %swap3A_361 = arith.index_cast %add3A_347 : i32 to index
        %swap3A_362 = arith.constant 48 : index
        %swap3A_363 = tpu.vector_load %arg8[%swap3A_361, %swap3A_362] {strides = array<i32>} : memref<128x128xf32, #tpu.memory_space<vmem>>, vector<16xf32>,
        tpu.vector_store %arg8[%swap3A_361, %swap3A_362], %select_n3A_360 {strides = array<i32>} : memref<128x128xf32, #tpu.memory_space<vmem>>, vector<16xf32>,
        %select_n3A_364 = arith.select %ne3A_125, %gather3A_341, %get3A_345 : vector<16xi1>, vector<16xf32>
        %swap3A_365 = arith.index_cast %add3A_347 : i32 to index
        %swap3A_366 = arith.constant 64 : index
        %swap3A_367 = tpu.vector_load %arg8[%swap3A_365, %swap3A_366] {strides = array<i32>} : memref<128x128xf32, #tpu.memory_space<vmem>>, vector<16xf32>,
        tpu.vector_store %arg8[%swap3A_365, %swap3A_366], %select_n3A_364 {strides = array<i32>} : memref<128x128xf32, #tpu.memory_space<vmem>>, vector<16xf32>,
        %select_n3A_368 = arith.select %ne3A_131, %gather3A_341, %get3A_345 : vector<16xi1>, vector<16xf32>
        %swap3A_369 = arith.index_cast %add3A_347 : i32 to index
        %swap3A_370 = arith.constant 80 : index
        %swap3A_371 = tpu.vector_load %arg8[%swap3A_369, %swap3A_370] {strides = array<i32>} : memref<128x128xf32, #tpu.memory_space<vmem>>, vector<16xf32>,
        tpu.vector_store %arg8[%swap3A_369, %swap3A_370], %select_n3A_368 {strides = array<i32>} : memref<128x128xf32, #tpu.memory_space<vmem>>, vector<16xf32>,
        %select_n3A_372 = arith.select %ne3A_137, %gather3A_341, %get3A_345 : vector<16xi1>, vector<16xf32>
        %swap3A_373 = arith.index_cast %add3A_347 : i32 to index
        %swap3A_374 = arith.constant 96 : index
        %swap3A_375 = tpu.vector_load %arg8[%swap3A_373, %swap3A_374] {strides = array<i32>} : memref<128x128xf32, #tpu.memory_space<vmem>>, vector<16xf32>,
        tpu.vector_store %arg8[%swap3A_373, %swap3A_374], %select_n3A_372 {strides = array<i32>} : memref<128x128xf32, #tpu.memory_space<vmem>>, vector<16xf32>,
        %select_n3A_376 = arith.select %ne3A_143, %gather3A_341, %get3A_345 : vector<16xi1>, vector<16xf32>
        %swap3A_377 = arith.index_cast %add3A_347 : i32 to index
        %swap3A_378 = arith.constant 112 : index
        %swap3A_379 = tpu.vector_load %arg8[%swap3A_377, %swap3A_378] {strides = array<i32>} : memref<128x128xf32, #tpu.memory_space<vmem>>, vector<16xf32>,
        tpu.vector_store %arg8[%swap3A_377, %swap3A_378], %select_n3A_376 {strides = array<i32>} : memref<128x128xf32, #tpu.memory_space<vmem>>, vector<16xf32>,
        %scan3A_380 = arith.constant 2 : i32
        %scan3A_381 = arith.addi %scan3A_298, %scan3A_380 : i32
        %add3A_382 = arith.addi %mul3A_147, %scan3A_381 : i32
        %broadcast_in_dim3A_383 = vector.broadcast %add3A_382 : i32 to vector<16xi32>
        %gather3A_384 = tpu.vector_load_idx %arg5[%broadcast_in_dim3A_383] : memref<12864xf32, #tpu.memory_space<vmem>>[vector<16xi32>], vector<16xf32>,
        %mul3A_385 = arith.constant 16 : i32
        %mul3A_386 = arith.muli %scan3A_381, %mul3A_385 : i32
        %get3A_387 = arith.index_cast %mul3A_386 : i32 to index
        %get3A_388 = tpu.vector_load %arg6[%get3A_387] {strides = array<i32>} : memref<1024xf32, #tpu.memory_space<vmem>>, vector<16xf32>,
        %add3A_389 = arith.constant 64 : i32
        %add3A_390 = arith.addi %add3A_389, %scan3A_381 : i32
        %select_n3A_391 = arith.select %ne3A_101, %gather3A_384, %get3A_388 : vector<16xi1>, vector<16xf32>
        %swap3A_392 = arith.index_cast %add3A_390 : i32 to index
        %swap3A_393 = arith.constant 0 : index
        %swap3A_394 = tpu.vector_load %arg8[%swap3A_392, %swap3A_393] {strides = array<i32>} : memref<128x128xf32, #tpu.memory_space<vmem>>, vector<16xf32>,
        tpu.vector_store %arg8[%swap3A_392, %swap3A_393], %select_n3A_391 {strides = array<i32>} : memref<128x128xf32, #tpu.memory_space<vmem>>, vector<16xf32>,
        %select_n3A_395 = arith.select %ne3A_107, %gather3A_384, %get3A_388 : vector<16xi1>, vector<16xf32>
        %swap3A_396 = arith.index_cast %add3A_390 : i32 to index
        %swap3A_397 = arith.constant 16 : index
        %swap3A_398 = tpu.vector_load %arg8[%swap3A_396, %swap3A_397] {strides = array<i32>} : memref<128x128xf32, #tpu.memory_space<vmem>>, vector<16xf32>,
        tpu.vector_store %arg8[%swap3A_396, %swap3A_397], %select_n3A_395 {strides = array<i32>} : memref<128x128xf32, #tpu.memory_space<vmem>>, vector<16xf32>,
        %select_n3A_399 = arith.select %ne3A_113, %gather3A_384, %get3A_388 : vector<16xi1>, vector<16xf32>
        %swap3A_400 = arith.index_cast %add3A_390 : i32 to index
        %swap3A_401 = arith.constant 32 : index
        %swap3A_402 = tpu.vector_load %arg8[%swap3A_400, %swap3A_401] {strides = array<i32>} : memref<128x128xf32, #tpu.memory_space<vmem>>, vector<16xf32>,
        tpu.vector_store %arg8[%swap3A_400, %swap3A_401], %select_n3A_399 {strides = array<i32>} : memref<128x128xf32, #tpu.memory_space<vmem>>, vector<16xf32>,
        %select_n3A_403 = arith.select %ne3A_119, %gather3A_384, %get3A_388 : vector<16xi1>, vector<16xf32>
        %swap3A_404 = arith.index_cast %add3A_390 : i32 to index
        %swap3A_405 = arith.constant 48 : index
        %swap3A_406 = tpu.vector_load %arg8[%swap3A_404, %swap3A_405] {strides = array<i32>} : memref<128x128xf32, #tpu.memory_space<vmem>>, vector<16xf32>,
        tpu.vector_store %arg8[%swap3A_404, %swap3A_405], %select_n3A_403 {strides = array<i32>} : memref<128x128xf32, #tpu.memory_space<vmem>>, vector<16xf32>,
        %select_n3A_407 = arith.select %ne3A_125, %gather3A_384, %get3A_388 : vector<16xi1>, vector<16xf32>
        %swap3A_408 = arith.index_cast %add3A_390 : i32 to index
        %swap3A_409 = arith.constant 64 : index
        %swap3A_410 = tpu.vector_load %arg8[%swap3A_408, %swap3A_409] {strides = array<i32>} : memref<128x128xf32, #tpu.memory_space<vmem>>, vector<16xf32>,
        tpu.vector_store %arg8[%swap3A_408, %swap3A_409], %select_n3A_407 {strides = array<i32>} : memref<128x128xf32, #tpu.memory_space<vmem>>, vector<16xf32>,
        %select_n3A_411 = arith.select %ne3A_131, %gather3A_384, %get3A_388 : vector<16xi1>, vector<16xf32>
        %swap3A_412 = arith.index_cast %add3A_390 : i32 to index
        %swap3A_413 = arith.constant 80 : index
        %swap3A_414 = tpu.vector_load %arg8[%swap3A_412, %swap3A_413] {strides = array<i32>} : memref<128x128xf32, #tpu.memory_space<vmem>>, vector<16xf32>,
        tpu.vector_store %arg8[%swap3A_412, %swap3A_413], %select_n3A_411 {strides = array<i32>} : memref<128x128xf32, #tpu.memory_space<vmem>>, vector<16xf32>,
        %select_n3A_415 = arith.select %ne3A_137, %gather3A_384, %get3A_388 : vector<16xi1>, vector<16xf32>
        %swap3A_416 = arith.index_cast %add3A_390 : i32 to index
        %swap3A_417 = arith.constant 96 : index
        %swap3A_418 = tpu.vector_load %arg8[%swap3A_416, %swap3A_417] {strides = array<i32>} : memref<128x128xf32, #tpu.memory_space<vmem>>, vector<16xf32>,
        tpu.vector_store %arg8[%swap3A_416, %swap3A_417], %select_n3A_415 {strides = array<i32>} : memref<128x128xf32, #tpu.memory_space<vmem>>, vector<16xf32>,
        %select_n3A_419 = arith.select %ne3A_143, %gather3A_384, %get3A_388 : vector<16xi1>, vector<16xf32>
        %swap3A_420 = arith.index_cast %add3A_390 : i32 to index
        %swap3A_421 = arith.constant 112 : index
        %swap3A_422 = tpu.vector_load %arg8[%swap3A_420, %swap3A_421] {strides = array<i32>} : memref<128x128xf32, #tpu.memory_space<vmem>>, vector<16xf32>,
        tpu.vector_store %arg8[%swap3A_420, %swap3A_421], %select_n3A_419 {strides = array<i32>} : memref<128x128xf32, #tpu.memory_space<vmem>>, vector<16xf32>,
        %scan3A_423 = arith.constant 3 : i32
        %scan3A_424 = arith.addi %scan3A_298, %scan3A_423 : i32
        %add3A_425 = arith.addi %mul3A_147, %scan3A_424 : i32
        %broadcast_in_dim3A_426 = vector.broadcast %add3A_425 : i32 to vector<16xi32>
        %gather3A_427 = tpu.vector_load_idx %arg5[%broadcast_in_dim3A_426] : memref<12864xf32, #tpu.memory_space<vmem>>[vector<16xi32>], vector<16xf32>,
        %mul3A_428 = arith.constant 16 : i32
        %mul3A_429 = arith.muli %scan3A_424, %mul3A_428 : i32
        %get3A_430 = arith.index_cast %mul3A_429 : i32 to index
        %get3A_431 = tpu.vector_load %arg6[%get3A_430] {strides = array<i32>} : memref<1024xf32, #tpu.memory_space<vmem>>, vector<16xf32>,
        %add3A_432 = arith.constant 64 : i32
        %add3A_433 = arith.addi %add3A_432, %scan3A_424 : i32
        %select_n3A_434 = arith.select %ne3A_101, %gather3A_427, %get3A_431 : vector<16xi1>, vector<16xf32>
        %swap3A_435 = arith.index_cast %add3A_433 : i32 to index
        %swap3A_436 = arith.constant 0 : index
        %swap3A_437 = tpu.vector_load %arg8[%swap3A_435, %swap3A_436] {strides = array<i32>} : memref<128x128xf32, #tpu.memory_space<vmem>>, vector<16xf32>,
        tpu.vector_store %arg8[%swap3A_435, %swap3A_436], %select_n3A_434 {strides = array<i32>} : memref<128x128xf32, #tpu.memory_space<vmem>>, vector<16xf32>,
        %select_n3A_438 = arith.select %ne3A_107, %gather3A_427, %get3A_431 : vector<16xi1>, vector<16xf32>
        %swap3A_439 = arith.index_cast %add3A_433 : i32 to index
        %swap3A_440 = arith.constant 16 : index
        %swap3A_441 = tpu.vector_load %arg8[%swap3A_439, %swap3A_440] {strides = array<i32>} : memref<128x128xf32, #tpu.memory_space<vmem>>, vector<16xf32>,
        tpu.vector_store %arg8[%swap3A_439, %swap3A_440], %select_n3A_438 {strides = array<i32>} : memref<128x128xf32, #tpu.memory_space<vmem>>, vector<16xf32>,
        %select_n3A_442 = arith.select %ne3A_113, %gather3A_427, %get3A_431 : vector<16xi1>, vector<16xf32>
        %swap3A_443 = arith.index_cast %add3A_433 : i32 to index
        %swap3A_444 = arith.constant 32 : index
        %swap3A_445 = tpu.vector_load %arg8[%swap3A_443, %swap3A_444] {strides = array<i32>} : memref<128x128xf32, #tpu.memory_space<vmem>>, vector<16xf32>,
        tpu.vector_store %arg8[%swap3A_443, %swap3A_444], %select_n3A_442 {strides = array<i32>} : memref<128x128xf32, #tpu.memory_space<vmem>>, vector<16xf32>,
        %select_n3A_446 = arith.select %ne3A_119, %gather3A_427, %get3A_431 : vector<16xi1>, vector<16xf32>
        %swap3A_447 = arith.index_cast %add3A_433 : i32 to index
        %swap3A_448 = arith.constant 48 : index
        %swap3A_449 = tpu.vector_load %arg8[%swap3A_447, %swap3A_448] {strides = array<i32>} : memref<128x128xf32, #tpu.memory_space<vmem>>, vector<16xf32>,
        tpu.vector_store %arg8[%swap3A_447, %swap3A_448], %select_n3A_446 {strides = array<i32>} : memref<128x128xf32, #tpu.memory_space<vmem>>, vector<16xf32>,
        %select_n3A_450 = arith.select %ne3A_125, %gather3A_427, %get3A_431 : vector<16xi1>, vector<16xf32>
        %swap3A_451 = arith.index_cast %add3A_433 : i32 to index
        %swap3A_452 = arith.constant 64 : index
        %swap3A_453 = tpu.vector_load %arg8[%swap3A_451, %swap3A_452] {strides = array<i32>} : memref<128x128xf32, #tpu.memory_space<vmem>>, vector<16xf32>,
        tpu.vector_store %arg8[%swap3A_451, %swap3A_452], %select_n3A_450 {strides = array<i32>} : memref<128x128xf32, #tpu.memory_space<vmem>>, vector<16xf32>,
        %select_n3A_454 = arith.select %ne3A_131, %gather3A_427, %get3A_431 : vector<16xi1>, vector<16xf32>
        %swap3A_455 = arith.index_cast %add3A_433 : i32 to index
        %swap3A_456 = arith.constant 80 : index
        %swap3A_457 = tpu.vector_load %arg8[%swap3A_455, %swap3A_456] {strides = array<i32>} : memref<128x128xf32, #tpu.memory_space<vmem>>, vector<16xf32>,
        tpu.vector_store %arg8[%swap3A_455, %swap3A_456], %select_n3A_454 {strides = array<i32>} : memref<128x128xf32, #tpu.memory_space<vmem>>, vector<16xf32>,
        %select_n3A_458 = arith.select %ne3A_137, %gather3A_427, %get3A_431 : vector<16xi1>, vector<16xf32>
        %swap3A_459 = arith.index_cast %add3A_433 : i32 to index
        %swap3A_460 = arith.constant 96 : index
        %swap3A_461 = tpu.vector_load %arg8[%swap3A_459, %swap3A_460] {strides = array<i32>} : memref<128x128xf32, #tpu.memory_space<vmem>>, vector<16xf32>,
        tpu.vector_store %arg8[%swap3A_459, %swap3A_460], %select_n3A_458 {strides = array<i32>} : memref<128x128xf32, #tpu.memory_space<vmem>>, vector<16xf32>,
        %select_n3A_462 = arith.select %ne3A_143, %gather3A_427, %get3A_431 : vector<16xi1>, vector<16xf32>
        %swap3A_463 = arith.index_cast %add3A_433 : i32 to index
        %swap3A_464 = arith.constant 112 : index
        %swap3A_465 = tpu.vector_load %arg8[%swap3A_463, %swap3A_464] {strides = array<i32>} : memref<128x128xf32, #tpu.memory_space<vmem>>, vector<16xf32>,
        tpu.vector_store %arg8[%swap3A_463, %swap3A_464], %select_n3A_462 {strides = array<i32>} : memref<128x128xf32, #tpu.memory_space<vmem>>, vector<16xf32>,
      }
      %scan3A_153 = arith.constant 64 : i32
      %mul3A_154 = arith.constant 2 : i32
      %mul3A_155 = arith.muli %mul3A_29, %mul3A_154 : i32
      %mul3A_156 = arith.constant 64 : i32
      %mul3A_157 = arith.muli %mul3A_155, %mul3A_156 : i32
      %dma_start3A = tpu.memref_slice %arg4[%mul3A_157, %mul3A_2] : memref<12800x4096xf32, #tpu.memory_space<hbm>> -> memref<128x128xf32, #tpu.memory_space<hbm>>
      %dma_start3A_158 = tpu.memref_slice %arg4[%mul3A_157, %mul3A_2] : memref<12800x4096xf32, #tpu.memory_space<hbm>> -> memref<128x128xf32, #tpu.memory_space<hbm>>
      tpu.enqueue_dma source(%arg8 : memref<128x128xf32, #tpu.memory_space<vmem>>) target(%dma_start3A_158 : memref<128x128xf32, #tpu.memory_space<hbm>>) target_semaphore(%arg10 : memref<!tpu.dma_semaphore, #tpu.memory_space<semaphore_mem>>)
      %mul3A_159 = arith.constant 2 : i32
      %mul3A_160 = arith.muli %mul3A_159, %scan3A_27 : i32
      %add3A_161 = arith.constant 1 : i32
      %add3A_162 = arith.addi %mul3A_160, %add3A_161 : i32
      %gt3A_163 = arith.constant 0 : i32
      %gt3A_164 = arith.cmpi sgt, %scan3A_27, %gt3A_163 : i32
      %convert_element_type3A_165 = arith.extui %gt3A_164 : i1 to i32
      %cond3A_166 = arith.constant 0 : i32
      %cond3A_167 = arith.cmpi ne, %convert_element_type3A_165, %cond3A_166 : i32
      scf.if %cond3A_167 {
        %dma_wait3A_298 = arith.constant 0 : i32
        %dma_wait3A_299 = tpu.memref_slice %arg4[%dma_wait3A_298, %mul3A_2] : memref<12800x4096xf32, #tpu.memory_space<hbm>> -> memref<128x128xf32, #tpu.memory_space<hbm>>
        %dma_wait3A_300 = arith.constant 0 : i32
        %dma_wait3A_301 = tpu.memref_slice %arg4[%dma_wait3A_300, %mul3A_2] : memref<12800x4096xf32, #tpu.memory_space<hbm>> -> memref<128x128xf32, #tpu.memory_space<hbm>>
        tpu.wait_dma2 semaphore(%arg11 : memref<!tpu.dma_semaphore, #tpu.memory_space<semaphore_mem>>) src(%arg9 : memref<128x128xf32, #tpu.memory_space<vmem>>) dst(%dma_wait3A_301 : memref<128x128xf32, #tpu.memory_space<hbm>>)
      } else {
      }
      %mul3A_168 = arith.constant 2 : i32
      %mul3A_169 = arith.muli %add3A_162, %mul3A_168 : i32
      %add3A_170 = arith.constant 0 : i32
      %add3A_171 = arith.addi %mul3A_169, %add3A_170 : i32
      %add3A_172 = arith.constant 0 : i32
      %add3A_173 = arith.addi %add3A_172, %add3A_171 : i32
      %add3A_174 = vector.broadcast %add3A_173 : i32 to vector<16xi32>
      %add3A_175 = arith.addi %mul3A_13, %add3A_174 : vector<16xi32>
      %gather3A_176 = tpu.vector_load_idx %arg7[%add3A_175] : memref<25616xi32, #tpu.memory_space<vmem>>[vector<16xi32>], vector<16xi32>,
      %ne3A_177 = arith.cmpi ne, %gather3A_176, %broadcast_in_dim3A_5 : vector<16xi32>
      %add3A_178 = arith.constant 3200 : i32
      %add3A_179 = arith.addi %add3A_178, %add3A_171 : i32
      %add3A_180 = vector.broadcast %add3A_179 : i32 to vector<16xi32>
      %add3A_181 = arith.addi %mul3A_13, %add3A_180 : vector<16xi32>
      %gather3A_182 = tpu.vector_load_idx %arg7[%add3A_181] : memref<25616xi32, #tpu.memory_space<vmem>>[vector<16xi32>], vector<16xi32>,
      %ne3A_183 = arith.cmpi ne, %gather3A_182, %broadcast_in_dim3A_5 : vector<16xi32>
      %add3A_184 = arith.constant 6400 : i32
      %add3A_185 = arith.addi %add3A_184, %add3A_171 : i32
      %add3A_186 = vector.broadcast %add3A_185 : i32 to vector<16xi32>
      %add3A_187 = arith.addi %mul3A_13, %add3A_186 : vector<16xi32>
      %gather3A_188 = tpu.vector_load_idx %arg7[%add3A_187] : memref<25616xi32, #tpu.memory_space<vmem>>[vector<16xi32>], vector<16xi32>,
      %ne3A_189 = arith.cmpi ne, %gather3A_188, %broadcast_in_dim3A_5 : vector<16xi32>
      %add3A_190 = arith.constant 9600 : i32
      %add3A_191 = arith.addi %add3A_190, %add3A_171 : i32
      %add3A_192 = vector.broadcast %add3A_191 : i32 to vector<16xi32>
      %add3A_193 = arith.addi %mul3A_13, %add3A_192 : vector<16xi32>
      %gather3A_194 = tpu.vector_load_idx %arg7[%add3A_193] : memref<25616xi32, #tpu.memory_space<vmem>>[vector<16xi32>], vector<16xi32>,
      %ne3A_195 = arith.cmpi ne, %gather3A_194, %broadcast_in_dim3A_5 : vector<16xi32>
      %add3A_196 = arith.constant 12800 : i32
      %add3A_197 = arith.addi %add3A_196, %add3A_171 : i32
      %add3A_198 = vector.broadcast %add3A_197 : i32 to vector<16xi32>
      %add3A_199 = arith.addi %mul3A_13, %add3A_198 : vector<16xi32>
      %gather3A_200 = tpu.vector_load_idx %arg7[%add3A_199] : memref<25616xi32, #tpu.memory_space<vmem>>[vector<16xi32>], vector<16xi32>,
      %ne3A_201 = arith.cmpi ne, %gather3A_200, %broadcast_in_dim3A_5 : vector<16xi32>
      %add3A_202 = arith.constant 16000 : i32
      %add3A_203 = arith.addi %add3A_202, %add3A_171 : i32
      %add3A_204 = vector.broadcast %add3A_203 : i32 to vector<16xi32>
      %add3A_205 = arith.addi %mul3A_13, %add3A_204 : vector<16xi32>
      %gather3A_206 = tpu.vector_load_idx %arg7[%add3A_205] : memref<25616xi32, #tpu.memory_space<vmem>>[vector<16xi32>], vector<16xi32>,
      %ne3A_207 = arith.cmpi ne, %gather3A_206, %broadcast_in_dim3A_5 : vector<16xi32>
      %add3A_208 = arith.constant 19200 : i32
      %add3A_209 = arith.addi %add3A_208, %add3A_171 : i32
      %add3A_210 = vector.broadcast %add3A_209 : i32 to vector<16xi32>
      %add3A_211 = arith.addi %mul3A_13, %add3A_210 : vector<16xi32>
      %gather3A_212 = tpu.vector_load_idx %arg7[%add3A_211] : memref<25616xi32, #tpu.memory_space<vmem>>[vector<16xi32>], vector<16xi32>,
      %ne3A_213 = arith.cmpi ne, %gather3A_212, %broadcast_in_dim3A_5 : vector<16xi32>
      %add3A_214 = arith.constant 22400 : i32
      %add3A_215 = arith.addi %add3A_214, %add3A_171 : i32
      %add3A_216 = vector.broadcast %add3A_215 : i32 to vector<16xi32>
      %add3A_217 = arith.addi %mul3A_13, %add3A_216 : vector<16xi32>
      %gather3A_218 = tpu.vector_load_idx %arg7[%add3A_217] : memref<25616xi32, #tpu.memory_space<vmem>>[vector<16xi32>], vector<16xi32>,
      %ne3A_219 = arith.cmpi ne, %gather3A_218, %broadcast_in_dim3A_5 : vector<16xi32>
      %add3A_220 = arith.constant 1 : i32
      %add3A_221 = arith.addi %add3A_171, %add3A_220 : i32
      %mul3A_222 = arith.constant 64 : i32
      %mul3A_223 = arith.muli %add3A_221, %mul3A_222 : i32
      %scan3A_224 = arith.constant 0 : i32
      %scan3A_225 = arith.constant 0 : i32
      %scan3A_226 = arith.constant 64 : i32
      %scan3A_227 = arith.addi %scan3A_225, %scan3A_226 : i32
      %scan3A_228 = arith.constant 4 : i32
      scf.for %scan3A_298 = %scan3A_225 to %scan3A_227 step %scan3A_228  : i32 {
        %add3A_299 = arith.addi %mul3A_223, %scan3A_298 : i32
        %broadcast_in_dim3A_300 = vector.broadcast %add3A_299 : i32 to vector<16xi32>
        %gather3A_301 = tpu.vector_load_idx %arg5[%broadcast_in_dim3A_300] : memref<12864xf32, #tpu.memory_space<vmem>>[vector<16xi32>], vector<16xf32>,
        %mul3A_302 = arith.constant 16 : i32
        %mul3A_303 = arith.muli %scan3A_298, %mul3A_302 : i32
        %get3A = arith.index_cast %mul3A_303 : i32 to index
        %get3A_304 = tpu.vector_load %arg6[%get3A] {strides = array<i32>} : memref<1024xf32, #tpu.memory_space<vmem>>, vector<16xf32>,
        %add3A_305 = arith.constant 0 : i32
        %add3A_306 = arith.addi %add3A_305, %scan3A_298 : i32
        %select_n3A = arith.select %ne3A_177, %gather3A_301, %get3A_304 : vector<16xi1>, vector<16xf32>
        %swap3A = arith.index_cast %add3A_306 : i32 to index
        %swap3A_307 = arith.constant 0 : index
        %swap3A_308 = tpu.vector_load %arg9[%swap3A, %swap3A_307] {strides = array<i32>} : memref<128x128xf32, #tpu.memory_space<vmem>>, vector<16xf32>,
        tpu.vector_store %arg9[%swap3A, %swap3A_307], %select_n3A {strides = array<i32>} : memref<128x128xf32, #tpu.memory_space<vmem>>, vector<16xf32>,
        %select_n3A_309 = arith.select %ne3A_183, %gather3A_301, %get3A_304 : vector<16xi1>, vector<16xf32>
        %swap3A_310 = arith.index_cast %add3A_306 : i32 to index
        %swap3A_311 = arith.constant 16 : index
        %swap3A_312 = tpu.vector_load %arg9[%swap3A_310, %swap3A_311] {strides = array<i32>} : memref<128x128xf32, #tpu.memory_space<vmem>>, vector<16xf32>,
        tpu.vector_store %arg9[%swap3A_310, %swap3A_311], %select_n3A_309 {strides = array<i32>} : memref<128x128xf32, #tpu.memory_space<vmem>>, vector<16xf32>,
        %select_n3A_313 = arith.select %ne3A_189, %gather3A_301, %get3A_304 : vector<16xi1>, vector<16xf32>
        %swap3A_314 = arith.index_cast %add3A_306 : i32 to index
        %swap3A_315 = arith.constant 32 : index
        %swap3A_316 = tpu.vector_load %arg9[%swap3A_314, %swap3A_315] {strides = array<i32>} : memref<128x128xf32, #tpu.memory_space<vmem>>, vector<16xf32>,
        tpu.vector_store %arg9[%swap3A_314, %swap3A_315], %select_n3A_313 {strides = array<i32>} : memref<128x128xf32, #tpu.memory_space<vmem>>, vector<16xf32>,
        %select_n3A_317 = arith.select %ne3A_195, %gather3A_301, %get3A_304 : vector<16xi1>, vector<16xf32>
        %swap3A_318 = arith.index_cast %add3A_306 : i32 to index
        %swap3A_319 = arith.constant 48 : index
        %swap3A_320 = tpu.vector_load %arg9[%swap3A_318, %swap3A_319] {strides = array<i32>} : memref<128x128xf32, #tpu.memory_space<vmem>>, vector<16xf32>,
        tpu.vector_store %arg9[%swap3A_318, %swap3A_319], %select_n3A_317 {strides = array<i32>} : memref<128x128xf32, #tpu.memory_space<vmem>>, vector<16xf32>,
        %select_n3A_321 = arith.select %ne3A_201, %gather3A_301, %get3A_304 : vector<16xi1>, vector<16xf32>
        %swap3A_322 = arith.index_cast %add3A_306 : i32 to index
        %swap3A_323 = arith.constant 64 : index
        %swap3A_324 = tpu.vector_load %arg9[%swap3A_322, %swap3A_323] {strides = array<i32>} : memref<128x128xf32, #tpu.memory_space<vmem>>, vector<16xf32>,
        tpu.vector_store %arg9[%swap3A_322, %swap3A_323], %select_n3A_321 {strides = array<i32>} : memref<128x128xf32, #tpu.memory_space<vmem>>, vector<16xf32>,
        %select_n3A_325 = arith.select %ne3A_207, %gather3A_301, %get3A_304 : vector<16xi1>, vector<16xf32>
        %swap3A_326 = arith.index_cast %add3A_306 : i32 to index
        %swap3A_327 = arith.constant 80 : index
        %swap3A_328 = tpu.vector_load %arg9[%swap3A_326, %swap3A_327] {strides = array<i32>} : memref<128x128xf32, #tpu.memory_space<vmem>>, vector<16xf32>,
        tpu.vector_store %arg9[%swap3A_326, %swap3A_327], %select_n3A_325 {strides = array<i32>} : memref<128x128xf32, #tpu.memory_space<vmem>>, vector<16xf32>,
        %select_n3A_329 = arith.select %ne3A_213, %gather3A_301, %get3A_304 : vector<16xi1>, vector<16xf32>
        %swap3A_330 = arith.index_cast %add3A_306 : i32 to index
        %swap3A_331 = arith.constant 96 : index
        %swap3A_332 = tpu.vector_load %arg9[%swap3A_330, %swap3A_331] {strides = array<i32>} : memref<128x128xf32, #tpu.memory_space<vmem>>, vector<16xf32>,
        tpu.vector_store %arg9[%swap3A_330, %swap3A_331], %select_n3A_329 {strides = array<i32>} : memref<128x128xf32, #tpu.memory_space<vmem>>, vector<16xf32>,
        %select_n3A_333 = arith.select %ne3A_219, %gather3A_301, %get3A_304 : vector<16xi1>, vector<16xf32>
        %swap3A_334 = arith.index_cast %add3A_306 : i32 to index
        %swap3A_335 = arith.constant 112 : index
        %swap3A_336 = tpu.vector_load %arg9[%swap3A_334, %swap3A_335] {strides = array<i32>} : memref<128x128xf32, #tpu.memory_space<vmem>>, vector<16xf32>,
        tpu.vector_store %arg9[%swap3A_334, %swap3A_335], %select_n3A_333 {strides = array<i32>} : memref<128x128xf32, #tpu.memory_space<vmem>>, vector<16xf32>,
        %scan3A_337 = arith.constant 1 : i32
        %scan3A_338 = arith.addi %scan3A_298, %scan3A_337 : i32
        %add3A_339 = arith.addi %mul3A_223, %scan3A_338 : i32
        %broadcast_in_dim3A_340 = vector.broadcast %add3A_339 : i32 to vector<16xi32>
        %gather3A_341 = tpu.vector_load_idx %arg5[%broadcast_in_dim3A_340] : memref<12864xf32, #tpu.memory_space<vmem>>[vector<16xi32>], vector<16xf32>,
        %mul3A_342 = arith.constant 16 : i32
        %mul3A_343 = arith.muli %scan3A_338, %mul3A_342 : i32
        %get3A_344 = arith.index_cast %mul3A_343 : i32 to index
        %get3A_345 = tpu.vector_load %arg6[%get3A_344] {strides = array<i32>} : memref<1024xf32, #tpu.memory_space<vmem>>, vector<16xf32>,
        %add3A_346 = arith.constant 0 : i32
        %add3A_347 = arith.addi %add3A_346, %scan3A_338 : i32
        %select_n3A_348 = arith.select %ne3A_177, %gather3A_341, %get3A_345 : vector<16xi1>, vector<16xf32>
        %swap3A_349 = arith.index_cast %add3A_347 : i32 to index
        %swap3A_350 = arith.constant 0 : index
        %swap3A_351 = tpu.vector_load %arg9[%swap3A_349, %swap3A_350] {strides = array<i32>} : memref<128x128xf32, #tpu.memory_space<vmem>>, vector<16xf32>,
        tpu.vector_store %arg9[%swap3A_349, %swap3A_350], %select_n3A_348 {strides = array<i32>} : memref<128x128xf32, #tpu.memory_space<vmem>>, vector<16xf32>,
        %select_n3A_352 = arith.select %ne3A_183, %gather3A_341, %get3A_345 : vector<16xi1>, vector<16xf32>
        %swap3A_353 = arith.index_cast %add3A_347 : i32 to index
        %swap3A_354 = arith.constant 16 : index
        %swap3A_355 = tpu.vector_load %arg9[%swap3A_353, %swap3A_354] {strides = array<i32>} : memref<128x128xf32, #tpu.memory_space<vmem>>, vector<16xf32>,
        tpu.vector_store %arg9[%swap3A_353, %swap3A_354], %select_n3A_352 {strides = array<i32>} : memref<128x128xf32, #tpu.memory_space<vmem>>, vector<16xf32>,
        %select_n3A_356 = arith.select %ne3A_189, %gather3A_341, %get3A_345 : vector<16xi1>, vector<16xf32>
        %swap3A_357 = arith.index_cast %add3A_347 : i32 to index
        %swap3A_358 = arith.constant 32 : index
        %swap3A_359 = tpu.vector_load %arg9[%swap3A_357, %swap3A_358] {strides = array<i32>} : memref<128x128xf32, #tpu.memory_space<vmem>>, vector<16xf32>,
        tpu.vector_store %arg9[%swap3A_357, %swap3A_358], %select_n3A_356 {strides = array<i32>} : memref<128x128xf32, #tpu.memory_space<vmem>>, vector<16xf32>,
        %select_n3A_360 = arith.select %ne3A_195, %gather3A_341, %get3A_345 : vector<16xi1>, vector<16xf32>
        %swap3A_361 = arith.index_cast %add3A_347 : i32 to index
        %swap3A_362 = arith.constant 48 : index
        %swap3A_363 = tpu.vector_load %arg9[%swap3A_361, %swap3A_362] {strides = array<i32>} : memref<128x128xf32, #tpu.memory_space<vmem>>, vector<16xf32>,
        tpu.vector_store %arg9[%swap3A_361, %swap3A_362], %select_n3A_360 {strides = array<i32>} : memref<128x128xf32, #tpu.memory_space<vmem>>, vector<16xf32>,
        %select_n3A_364 = arith.select %ne3A_201, %gather3A_341, %get3A_345 : vector<16xi1>, vector<16xf32>
        %swap3A_365 = arith.index_cast %add3A_347 : i32 to index
        %swap3A_366 = arith.constant 64 : index
        %swap3A_367 = tpu.vector_load %arg9[%swap3A_365, %swap3A_366] {strides = array<i32>} : memref<128x128xf32, #tpu.memory_space<vmem>>, vector<16xf32>,
        tpu.vector_store %arg9[%swap3A_365, %swap3A_366], %select_n3A_364 {strides = array<i32>} : memref<128x128xf32, #tpu.memory_space<vmem>>, vector<16xf32>,
        %select_n3A_368 = arith.select %ne3A_207, %gather3A_341, %get3A_345 : vector<16xi1>, vector<16xf32>
        %swap3A_369 = arith.index_cast %add3A_347 : i32 to index
        %swap3A_370 = arith.constant 80 : index
        %swap3A_371 = tpu.vector_load %arg9[%swap3A_369, %swap3A_370] {strides = array<i32>} : memref<128x128xf32, #tpu.memory_space<vmem>>, vector<16xf32>,
        tpu.vector_store %arg9[%swap3A_369, %swap3A_370], %select_n3A_368 {strides = array<i32>} : memref<128x128xf32, #tpu.memory_space<vmem>>, vector<16xf32>,
        %select_n3A_372 = arith.select %ne3A_213, %gather3A_341, %get3A_345 : vector<16xi1>, vector<16xf32>
        %swap3A_373 = arith.index_cast %add3A_347 : i32 to index
        %swap3A_374 = arith.constant 96 : index
        %swap3A_375 = tpu.vector_load %arg9[%swap3A_373, %swap3A_374] {strides = array<i32>} : memref<128x128xf32, #tpu.memory_space<vmem>>, vector<16xf32>,
        tpu.vector_store %arg9[%swap3A_373, %swap3A_374], %select_n3A_372 {strides = array<i32>} : memref<128x128xf32, #tpu.memory_space<vmem>>, vector<16xf32>,
        %select_n3A_376 = arith.select %ne3A_219, %gather3A_341, %get3A_345 : vector<16xi1>, vector<16xf32>
        %swap3A_377 = arith.index_cast %add3A_347 : i32 to index
        %swap3A_378 = arith.constant 112 : index
        %swap3A_379 = tpu.vector_load %arg9[%swap3A_377, %swap3A_378] {strides = array<i32>} : memref<128x128xf32, #tpu.memory_space<vmem>>, vector<16xf32>,
        tpu.vector_store %arg9[%swap3A_377, %swap3A_378], %select_n3A_376 {strides = array<i32>} : memref<128x128xf32, #tpu.memory_space<vmem>>, vector<16xf32>,
        %scan3A_380 = arith.constant 2 : i32
        %scan3A_381 = arith.addi %scan3A_298, %scan3A_380 : i32
        %add3A_382 = arith.addi %mul3A_223, %scan3A_381 : i32
        %broadcast_in_dim3A_383 = vector.broadcast %add3A_382 : i32 to vector<16xi32>
        %gather3A_384 = tpu.vector_load_idx %arg5[%broadcast_in_dim3A_383] : memref<12864xf32, #tpu.memory_space<vmem>>[vector<16xi32>], vector<16xf32>,
        %mul3A_385 = arith.constant 16 : i32
        %mul3A_386 = arith.muli %scan3A_381, %mul3A_385 : i32
        %get3A_387 = arith.index_cast %mul3A_386 : i32 to index
        %get3A_388 = tpu.vector_load %arg6[%get3A_387] {strides = array<i32>} : memref<1024xf32, #tpu.memory_space<vmem>>, vector<16xf32>,
        %add3A_389 = arith.constant 0 : i32
        %add3A_390 = arith.addi %add3A_389, %scan3A_381 : i32
        %select_n3A_391 = arith.select %ne3A_177, %gather3A_384, %get3A_388 : vector<16xi1>, vector<16xf32>
        %swap3A_392 = arith.index_cast %add3A_390 : i32 to index
        %swap3A_393 = arith.constant 0 : index
        %swap3A_394 = tpu.vector_load %arg9[%swap3A_392, %swap3A_393] {strides = array<i32>} : memref<128x128xf32, #tpu.memory_space<vmem>>, vector<16xf32>,
        tpu.vector_store %arg9[%swap3A_392, %swap3A_393], %select_n3A_391 {strides = array<i32>} : memref<128x128xf32, #tpu.memory_space<vmem>>, vector<16xf32>,
        %select_n3A_395 = arith.select %ne3A_183, %gather3A_384, %get3A_388 : vector<16xi1>, vector<16xf32>
        %swap3A_396 = arith.index_cast %add3A_390 : i32 to index
        %swap3A_397 = arith.constant 16 : index
        %swap3A_398 = tpu.vector_load %arg9[%swap3A_396, %swap3A_397] {strides = array<i32>} : memref<128x128xf32, #tpu.memory_space<vmem>>, vector<16xf32>,
        tpu.vector_store %arg9[%swap3A_396, %swap3A_397], %select_n3A_395 {strides = array<i32>} : memref<128x128xf32, #tpu.memory_space<vmem>>, vector<16xf32>,
        %select_n3A_399 = arith.select %ne3A_189, %gather3A_384, %get3A_388 : vector<16xi1>, vector<16xf32>
        %swap3A_400 = arith.index_cast %add3A_390 : i32 to index
        %swap3A_401 = arith.constant 32 : index
        %swap3A_402 = tpu.vector_load %arg9[%swap3A_400, %swap3A_401] {strides = array<i32>} : memref<128x128xf32, #tpu.memory_space<vmem>>, vector<16xf32>,
        tpu.vector_store %arg9[%swap3A_400, %swap3A_401], %select_n3A_399 {strides = array<i32>} : memref<128x128xf32, #tpu.memory_space<vmem>>, vector<16xf32>,
        %select_n3A_403 = arith.select %ne3A_195, %gather3A_384, %get3A_388 : vector<16xi1>, vector<16xf32>
        %swap3A_404 = arith.index_cast %add3A_390 : i32 to index
        %swap3A_405 = arith.constant 48 : index
        %swap3A_406 = tpu.vector_load %arg9[%swap3A_404, %swap3A_405] {strides = array<i32>} : memref<128x128xf32, #tpu.memory_space<vmem>>, vector<16xf32>,
        tpu.vector_store %arg9[%swap3A_404, %swap3A_405], %select_n3A_403 {strides = array<i32>} : memref<128x128xf32, #tpu.memory_space<vmem>>, vector<16xf32>,
        %select_n3A_407 = arith.select %ne3A_201, %gather3A_384, %get3A_388 : vector<16xi1>, vector<16xf32>
        %swap3A_408 = arith.index_cast %add3A_390 : i32 to index
        %swap3A_409 = arith.constant 64 : index
        %swap3A_410 = tpu.vector_load %arg9[%swap3A_408, %swap3A_409] {strides = array<i32>} : memref<128x128xf32, #tpu.memory_space<vmem>>, vector<16xf32>,
        tpu.vector_store %arg9[%swap3A_408, %swap3A_409], %select_n3A_407 {strides = array<i32>} : memref<128x128xf32, #tpu.memory_space<vmem>>, vector<16xf32>,
        %select_n3A_411 = arith.select %ne3A_207, %gather3A_384, %get3A_388 : vector<16xi1>, vector<16xf32>
        %swap3A_412 = arith.index_cast %add3A_390 : i32 to index
        %swap3A_413 = arith.constant 80 : index
        %swap3A_414 = tpu.vector_load %arg9[%swap3A_412, %swap3A_413] {strides = array<i32>} : memref<128x128xf32, #tpu.memory_space<vmem>>, vector<16xf32>,
        tpu.vector_store %arg9[%swap3A_412, %swap3A_413], %select_n3A_411 {strides = array<i32>} : memref<128x128xf32, #tpu.memory_space<vmem>>, vector<16xf32>,
        %select_n3A_415 = arith.select %ne3A_213, %gather3A_384, %get3A_388 : vector<16xi1>, vector<16xf32>
        %swap3A_416 = arith.index_cast %add3A_390 : i32 to index
        %swap3A_417 = arith.constant 96 : index
        %swap3A_418 = tpu.vector_load %arg9[%swap3A_416, %swap3A_417] {strides = array<i32>} : memref<128x128xf32, #tpu.memory_space<vmem>>, vector<16xf32>,
        tpu.vector_store %arg9[%swap3A_416, %swap3A_417], %select_n3A_415 {strides = array<i32>} : memref<128x128xf32, #tpu.memory_space<vmem>>, vector<16xf32>,
        %select_n3A_419 = arith.select %ne3A_219, %gather3A_384, %get3A_388 : vector<16xi1>, vector<16xf32>
        %swap3A_420 = arith.index_cast %add3A_390 : i32 to index
        %swap3A_421 = arith.constant 112 : index
        %swap3A_422 = tpu.vector_load %arg9[%swap3A_420, %swap3A_421] {strides = array<i32>} : memref<128x128xf32, #tpu.memory_space<vmem>>, vector<16xf32>,
        tpu.vector_store %arg9[%swap3A_420, %swap3A_421], %select_n3A_419 {strides = array<i32>} : memref<128x128xf32, #tpu.memory_space<vmem>>, vector<16xf32>,
        %scan3A_423 = arith.constant 3 : i32
        %scan3A_424 = arith.addi %scan3A_298, %scan3A_423 : i32
        %add3A_425 = arith.addi %mul3A_223, %scan3A_424 : i32
        %broadcast_in_dim3A_426 = vector.broadcast %add3A_425 : i32 to vector<16xi32>
        %gather3A_427 = tpu.vector_load_idx %arg5[%broadcast_in_dim3A_426] : memref<12864xf32, #tpu.memory_space<vmem>>[vector<16xi32>], vector<16xf32>,
        %mul3A_428 = arith.constant 16 : i32
        %mul3A_429 = arith.muli %scan3A_424, %mul3A_428 : i32
        %get3A_430 = arith.index_cast %mul3A_429 : i32 to index
        %get3A_431 = tpu.vector_load %arg6[%get3A_430] {strides = array<i32>} : memref<1024xf32, #tpu.memory_space<vmem>>, vector<16xf32>,
        %add3A_432 = arith.constant 0 : i32
        %add3A_433 = arith.addi %add3A_432, %scan3A_424 : i32
        %select_n3A_434 = arith.select %ne3A_177, %gather3A_427, %get3A_431 : vector<16xi1>, vector<16xf32>
        %swap3A_435 = arith.index_cast %add3A_433 : i32 to index
        %swap3A_436 = arith.constant 0 : index
        %swap3A_437 = tpu.vector_load %arg9[%swap3A_435, %swap3A_436] {strides = array<i32>} : memref<128x128xf32, #tpu.memory_space<vmem>>, vector<16xf32>,
        tpu.vector_store %arg9[%swap3A_435, %swap3A_436], %select_n3A_434 {strides = array<i32>} : memref<128x128xf32, #tpu.memory_space<vmem>>, vector<16xf32>,
        %select_n3A_438 = arith.select %ne3A_183, %gather3A_427, %get3A_431 : vector<16xi1>, vector<16xf32>
        %swap3A_439 = arith.index_cast %add3A_433 : i32 to index
        %swap3A_440 = arith.constant 16 : index
        %swap3A_441 = tpu.vector_load %arg9[%swap3A_439, %swap3A_440] {strides = array<i32>} : memref<128x128xf32, #tpu.memory_space<vmem>>, vector<16xf32>,
        tpu.vector_store %arg9[%swap3A_439, %swap3A_440], %select_n3A_438 {strides = array<i32>} : memref<128x128xf32, #tpu.memory_space<vmem>>, vector<16xf32>,
        %select_n3A_442 = arith.select %ne3A_189, %gather3A_427, %get3A_431 : vector<16xi1>, vector<16xf32>
        %swap3A_443 = arith.index_cast %add3A_433 : i32 to index
        %swap3A_444 = arith.constant 32 : index
        %swap3A_445 = tpu.vector_load %arg9[%swap3A_443, %swap3A_444] {strides = array<i32>} : memref<128x128xf32, #tpu.memory_space<vmem>>, vector<16xf32>,
        tpu.vector_store %arg9[%swap3A_443, %swap3A_444], %select_n3A_442 {strides = array<i32>} : memref<128x128xf32, #tpu.memory_space<vmem>>, vector<16xf32>,
        %select_n3A_446 = arith.select %ne3A_195, %gather3A_427, %get3A_431 : vector<16xi1>, vector<16xf32>
        %swap3A_447 = arith.index_cast %add3A_433 : i32 to index
        %swap3A_448 = arith.constant 48 : index
        %swap3A_449 = tpu.vector_load %arg9[%swap3A_447, %swap3A_448] {strides = array<i32>} : memref<128x128xf32, #tpu.memory_space<vmem>>, vector<16xf32>,
        tpu.vector_store %arg9[%swap3A_447, %swap3A_448], %select_n3A_446 {strides = array<i32>} : memref<128x128xf32, #tpu.memory_space<vmem>>, vector<16xf32>,
        %select_n3A_450 = arith.select %ne3A_201, %gather3A_427, %get3A_431 : vector<16xi1>, vector<16xf32>
        %swap3A_451 = arith.index_cast %add3A_433 : i32 to index
        %swap3A_452 = arith.constant 64 : index
        %swap3A_453 = tpu.vector_load %arg9[%swap3A_451, %swap3A_452] {strides = array<i32>} : memref<128x128xf32, #tpu.memory_space<vmem>>, vector<16xf32>,
        tpu.vector_store %arg9[%swap3A_451, %swap3A_452], %select_n3A_450 {strides = array<i32>} : memref<128x128xf32, #tpu.memory_space<vmem>>, vector<16xf32>,
        %select_n3A_454 = arith.select %ne3A_207, %gather3A_427, %get3A_431 : vector<16xi1>, vector<16xf32>
        %swap3A_455 = arith.index_cast %add3A_433 : i32 to index
        %swap3A_456 = arith.constant 80 : index
        %swap3A_457 = tpu.vector_load %arg9[%swap3A_455, %swap3A_456] {strides = array<i32>} : memref<128x128xf32, #tpu.memory_space<vmem>>, vector<16xf32>,
        tpu.vector_store %arg9[%swap3A_455, %swap3A_456], %select_n3A_454 {strides = array<i32>} : memref<128x128xf32, #tpu.memory_space<vmem>>, vector<16xf32>,
        %select_n3A_458 = arith.select %ne3A_213, %gather3A_427, %get3A_431 : vector<16xi1>, vector<16xf32>
        %swap3A_459 = arith.index_cast %add3A_433 : i32 to index
        %swap3A_460 = arith.constant 96 : index
        %swap3A_461 = tpu.vector_load %arg9[%swap3A_459, %swap3A_460] {strides = array<i32>} : memref<128x128xf32, #tpu.memory_space<vmem>>, vector<16xf32>,
        tpu.vector_store %arg9[%swap3A_459, %swap3A_460], %select_n3A_458 {strides = array<i32>} : memref<128x128xf32, #tpu.memory_space<vmem>>, vector<16xf32>,
        %select_n3A_462 = arith.select %ne3A_219, %gather3A_427, %get3A_431 : vector<16xi1>, vector<16xf32>
        %swap3A_463 = arith.index_cast %add3A_433 : i32 to index
        %swap3A_464 = arith.constant 112 : index
        %swap3A_465 = tpu.vector_load %arg9[%swap3A_463, %swap3A_464] {strides = array<i32>} : memref<128x128xf32, #tpu.memory_space<vmem>>, vector<16xf32>,
        tpu.vector_store %arg9[%swap3A_463, %swap3A_464], %select_n3A_462 {strides = array<i32>} : memref<128x128xf32, #tpu.memory_space<vmem>>, vector<16xf32>,
      }
      %scan3A_229 = arith.constant 64 : i32
      %mul3A_230 = arith.constant 2 : i32
      %mul3A_231 = arith.muli %add3A_162, %mul3A_230 : i32
      %add3A_232 = arith.constant 1 : i32
      %add3A_233 = arith.addi %mul3A_231, %add3A_232 : i32
      %add3A_234 = arith.constant 0 : i32
      %add3A_235 = arith.addi %add3A_234, %add3A_233 : i32
      %add3A_236 = vector.broadcast %add3A_235 : i32 to vector<16xi32>
      %add3A_237 = arith.addi %mul3A_13, %add3A_236 : vector<16xi32>
      %gather3A_238 = tpu.vector_load_idx %arg7[%add3A_237] : memref<25616xi32, #tpu.memory_space<vmem>>[vector<16xi32>], vector<16xi32>,
      %ne3A_239 = arith.cmpi ne, %gather3A_238, %broadcast_in_dim3A_5 : vector<16xi32>
      %add3A_240 = arith.constant 3200 : i32
      %add3A_241 = arith.addi %add3A_240, %add3A_233 : i32
      %add3A_242 = vector.broadcast %add3A_241 : i32 to vector<16xi32>
      %add3A_243 = arith.addi %mul3A_13, %add3A_242 : vector<16xi32>
      %gather3A_244 = tpu.vector_load_idx %arg7[%add3A_243] : memref<25616xi32, #tpu.memory_space<vmem>>[vector<16xi32>], vector<16xi32>,
      %ne3A_245 = arith.cmpi ne, %gather3A_244, %broadcast_in_dim3A_5 : vector<16xi32>
      %add3A_246 = arith.constant 6400 : i32
      %add3A_247 = arith.addi %add3A_246, %add3A_233 : i32
      %add3A_248 = vector.broadcast %add3A_247 : i32 to vector<16xi32>
      %add3A_249 = arith.addi %mul3A_13, %add3A_248 : vector<16xi32>
      %gather3A_250 = tpu.vector_load_idx %arg7[%add3A_249] : memref<25616xi32, #tpu.memory_space<vmem>>[vector<16xi32>], vector<16xi32>,
      %ne3A_251 = arith.cmpi ne, %gather3A_250, %broadcast_in_dim3A_5 : vector<16xi32>
      %add3A_252 = arith.constant 9600 : i32
      %add3A_253 = arith.addi %add3A_252, %add3A_233 : i32
      %add3A_254 = vector.broadcast %add3A_253 : i32 to vector<16xi32>
      %add3A_255 = arith.addi %mul3A_13, %add3A_254 : vector<16xi32>
      %gather3A_256 = tpu.vector_load_idx %arg7[%add3A_255] : memref<25616xi32, #tpu.memory_space<vmem>>[vector<16xi32>], vector<16xi32>,
      %ne3A_257 = arith.cmpi ne, %gather3A_256, %broadcast_in_dim3A_5 : vector<16xi32>
      %add3A_258 = arith.constant 12800 : i32
      %add3A_259 = arith.addi %add3A_258, %add3A_233 : i32
      %add3A_260 = vector.broadcast %add3A_259 : i32 to vector<16xi32>
      %add3A_261 = arith.addi %mul3A_13, %add3A_260 : vector<16xi32>
      %gather3A_262 = tpu.vector_load_idx %arg7[%add3A_261] : memref<25616xi32, #tpu.memory_space<vmem>>[vector<16xi32>], vector<16xi32>,
      %ne3A_263 = arith.cmpi ne, %gather3A_262, %broadcast_in_dim3A_5 : vector<16xi32>
      %add3A_264 = arith.constant 16000 : i32
      %add3A_265 = arith.addi %add3A_264, %add3A_233 : i32
      %add3A_266 = vector.broadcast %add3A_265 : i32 to vector<16xi32>
      %add3A_267 = arith.addi %mul3A_13, %add3A_266 : vector<16xi32>
      %gather3A_268 = tpu.vector_load_idx %arg7[%add3A_267] : memref<25616xi32, #tpu.memory_space<vmem>>[vector<16xi32>], vector<16xi32>,
      %ne3A_269 = arith.cmpi ne, %gather3A_268, %broadcast_in_dim3A_5 : vector<16xi32>
      %add3A_270 = arith.constant 19200 : i32
      %add3A_271 = arith.addi %add3A_270, %add3A_233 : i32
      %add3A_272 = vector.broadcast %add3A_271 : i32 to vector<16xi32>
      %add3A_273 = arith.addi %mul3A_13, %add3A_272 : vector<16xi32>
      %gather3A_274 = tpu.vector_load_idx %arg7[%add3A_273] : memref<25616xi32, #tpu.memory_space<vmem>>[vector<16xi32>], vector<16xi32>,
      %ne3A_275 = arith.cmpi ne, %gather3A_274, %broadcast_in_dim3A_5 : vector<16xi32>
      %add3A_276 = arith.constant 22400 : i32
      %add3A_277 = arith.addi %add3A_276, %add3A_233 : i32
      %add3A_278 = vector.broadcast %add3A_277 : i32 to vector<16xi32>
      %add3A_279 = arith.addi %mul3A_13, %add3A_278 : vector<16xi32>
      %gather3A_280 = tpu.vector_load_idx %arg7[%add3A_279] : memref<25616xi32, #tpu.memory_space<vmem>>[vector<16xi32>], vector<16xi32>,
      %ne3A_281 = arith.cmpi ne, %gather3A_280, %broadcast_in_dim3A_5 : vector<16xi32>
      %add3A_282 = arith.constant 1 : i32
      %add3A_283 = arith.addi %add3A_233, %add3A_282 : i32
      %mul3A_284 = arith.constant 64 : i32
      %mul3A_285 = arith.muli %add3A_283, %mul3A_284 : i32
      %scan3A_286 = arith.constant 0 : i32
      %scan3A_287 = arith.constant 0 : i32
      %scan3A_288 = arith.constant 64 : i32
      %scan3A_289 = arith.addi %scan3A_287, %scan3A_288 : i32
      %scan3A_290 = arith.constant 4 : i32
      scf.for %scan3A_298 = %scan3A_287 to %scan3A_289 step %scan3A_290  : i32 {
        %add3A_299 = arith.addi %mul3A_285, %scan3A_298 : i32
        %broadcast_in_dim3A_300 = vector.broadcast %add3A_299 : i32 to vector<16xi32>
        %gather3A_301 = tpu.vector_load_idx %arg5[%broadcast_in_dim3A_300] : memref<12864xf32, #tpu.memory_space<vmem>>[vector<16xi32>], vector<16xf32>,
        %mul3A_302 = arith.constant 16 : i32
        %mul3A_303 = arith.muli %scan3A_298, %mul3A_302 : i32
        %get3A = arith.index_cast %mul3A_303 : i32 to index
        %get3A_304 = tpu.vector_load %arg6[%get3A] {strides = array<i32>} : memref<1024xf32, #tpu.memory_space<vmem>>, vector<16xf32>,
        %add3A_305 = arith.constant 64 : i32
        %add3A_306 = arith.addi %add3A_305, %scan3A_298 : i32
        %select_n3A = arith.select %ne3A_239, %gather3A_301, %get3A_304 : vector<16xi1>, vector<16xf32>
        %swap3A = arith.index_cast %add3A_306 : i32 to index
        %swap3A_307 = arith.constant 0 : index
        %swap3A_308 = tpu.vector_load %arg9[%swap3A, %swap3A_307] {strides = array<i32>} : memref<128x128xf32, #tpu.memory_space<vmem>>, vector<16xf32>,
        tpu.vector_store %arg9[%swap3A, %swap3A_307], %select_n3A {strides = array<i32>} : memref<128x128xf32, #tpu.memory_space<vmem>>, vector<16xf32>,
        %select_n3A_309 = arith.select %ne3A_245, %gather3A_301, %get3A_304 : vector<16xi1>, vector<16xf32>
        %swap3A_310 = arith.index_cast %add3A_306 : i32 to index
        %swap3A_311 = arith.constant 16 : index
        %swap3A_312 = tpu.vector_load %arg9[%swap3A_310, %swap3A_311] {strides = array<i32>} : memref<128x128xf32, #tpu.memory_space<vmem>>, vector<16xf32>,
        tpu.vector_store %arg9[%swap3A_310, %swap3A_311], %select_n3A_309 {strides = array<i32>} : memref<128x128xf32, #tpu.memory_space<vmem>>, vector<16xf32>,
        %select_n3A_313 = arith.select %ne3A_251, %gather3A_301, %get3A_304 : vector<16xi1>, vector<16xf32>
        %swap3A_314 = arith.index_cast %add3A_306 : i32 to index
        %swap3A_315 = arith.constant 32 : index
        %swap3A_316 = tpu.vector_load %arg9[%swap3A_314, %swap3A_315] {strides = array<i32>} : memref<128x128xf32, #tpu.memory_space<vmem>>, vector<16xf32>,
        tpu.vector_store %arg9[%swap3A_314, %swap3A_315], %select_n3A_313 {strides = array<i32>} : memref<128x128xf32, #tpu.memory_space<vmem>>, vector<16xf32>,
        %select_n3A_317 = arith.select %ne3A_257, %gather3A_301, %get3A_304 : vector<16xi1>, vector<16xf32>
        %swap3A_318 = arith.index_cast %add3A_306 : i32 to index
        %swap3A_319 = arith.constant 48 : index
        %swap3A_320 = tpu.vector_load %arg9[%swap3A_318, %swap3A_319] {strides = array<i32>} : memref<128x128xf32, #tpu.memory_space<vmem>>, vector<16xf32>,
        tpu.vector_store %arg9[%swap3A_318, %swap3A_319], %select_n3A_317 {strides = array<i32>} : memref<128x128xf32, #tpu.memory_space<vmem>>, vector<16xf32>,
        %select_n3A_321 = arith.select %ne3A_263, %gather3A_301, %get3A_304 : vector<16xi1>, vector<16xf32>
        %swap3A_322 = arith.index_cast %add3A_306 : i32 to index
        %swap3A_323 = arith.constant 64 : index
        %swap3A_324 = tpu.vector_load %arg9[%swap3A_322, %swap3A_323] {strides = array<i32>} : memref<128x128xf32, #tpu.memory_space<vmem>>, vector<16xf32>,
        tpu.vector_store %arg9[%swap3A_322, %swap3A_323], %select_n3A_321 {strides = array<i32>} : memref<128x128xf32, #tpu.memory_space<vmem>>, vector<16xf32>,
        %select_n3A_325 = arith.select %ne3A_269, %gather3A_301, %get3A_304 : vector<16xi1>, vector<16xf32>
        %swap3A_326 = arith.index_cast %add3A_306 : i32 to index
        %swap3A_327 = arith.constant 80 : index
        %swap3A_328 = tpu.vector_load %arg9[%swap3A_326, %swap3A_327] {strides = array<i32>} : memref<128x128xf32, #tpu.memory_space<vmem>>, vector<16xf32>,
        tpu.vector_store %arg9[%swap3A_326, %swap3A_327], %select_n3A_325 {strides = array<i32>} : memref<128x128xf32, #tpu.memory_space<vmem>>, vector<16xf32>,
        %select_n3A_329 = arith.select %ne3A_275, %gather3A_301, %get3A_304 : vector<16xi1>, vector<16xf32>
        %swap3A_330 = arith.index_cast %add3A_306 : i32 to index
        %swap3A_331 = arith.constant 96 : index
        %swap3A_332 = tpu.vector_load %arg9[%swap3A_330, %swap3A_331] {strides = array<i32>} : memref<128x128xf32, #tpu.memory_space<vmem>>, vector<16xf32>,
        tpu.vector_store %arg9[%swap3A_330, %swap3A_331], %select_n3A_329 {strides = array<i32>} : memref<128x128xf32, #tpu.memory_space<vmem>>, vector<16xf32>,
        %select_n3A_333 = arith.select %ne3A_281, %gather3A_301, %get3A_304 : vector<16xi1>, vector<16xf32>
        %swap3A_334 = arith.index_cast %add3A_306 : i32 to index
        %swap3A_335 = arith.constant 112 : index
        %swap3A_336 = tpu.vector_load %arg9[%swap3A_334, %swap3A_335] {strides = array<i32>} : memref<128x128xf32, #tpu.memory_space<vmem>>, vector<16xf32>,
        tpu.vector_store %arg9[%swap3A_334, %swap3A_335], %select_n3A_333 {strides = array<i32>} : memref<128x128xf32, #tpu.memory_space<vmem>>, vector<16xf32>,
        %scan3A_337 = arith.constant 1 : i32
        %scan3A_338 = arith.addi %scan3A_298, %scan3A_337 : i32
        %add3A_339 = arith.addi %mul3A_285, %scan3A_338 : i32
        %broadcast_in_dim3A_340 = vector.broadcast %add3A_339 : i32 to vector<16xi32>
        %gather3A_341 = tpu.vector_load_idx %arg5[%broadcast_in_dim3A_340] : memref<12864xf32, #tpu.memory_space<vmem>>[vector<16xi32>], vector<16xf32>,
        %mul3A_342 = arith.constant 16 : i32
        %mul3A_343 = arith.muli %scan3A_338, %mul3A_342 : i32
        %get3A_344 = arith.index_cast %mul3A_343 : i32 to index
        %get3A_345 = tpu.vector_load %arg6[%get3A_344] {strides = array<i32>} : memref<1024xf32, #tpu.memory_space<vmem>>, vector<16xf32>,
        %add3A_346 = arith.constant 64 : i32
        %add3A_347 = arith.addi %add3A_346, %scan3A_338 : i32
        %select_n3A_348 = arith.select %ne3A_239, %gather3A_341, %get3A_345 : vector<16xi1>, vector<16xf32>
        %swap3A_349 = arith.index_cast %add3A_347 : i32 to index
        %swap3A_350 = arith.constant 0 : index
        %swap3A_351 = tpu.vector_load %arg9[%swap3A_349, %swap3A_350] {strides = array<i32>} : memref<128x128xf32, #tpu.memory_space<vmem>>, vector<16xf32>,
        tpu.vector_store %arg9[%swap3A_349, %swap3A_350], %select_n3A_348 {strides = array<i32>} : memref<128x128xf32, #tpu.memory_space<vmem>>, vector<16xf32>,
        %select_n3A_352 = arith.select %ne3A_245, %gather3A_341, %get3A_345 : vector<16xi1>, vector<16xf32>
        %swap3A_353 = arith.index_cast %add3A_347 : i32 to index
        %swap3A_354 = arith.constant 16 : index
        %swap3A_355 = tpu.vector_load %arg9[%swap3A_353, %swap3A_354] {strides = array<i32>} : memref<128x128xf32, #tpu.memory_space<vmem>>, vector<16xf32>,
        tpu.vector_store %arg9[%swap3A_353, %swap3A_354], %select_n3A_352 {strides = array<i32>} : memref<128x128xf32, #tpu.memory_space<vmem>>, vector<16xf32>,
        %select_n3A_356 = arith.select %ne3A_251, %gather3A_341, %get3A_345 : vector<16xi1>, vector<16xf32>
        %swap3A_357 = arith.index_cast %add3A_347 : i32 to index
        %swap3A_358 = arith.constant 32 : index
        %swap3A_359 = tpu.vector_load %arg9[%swap3A_357, %swap3A_358] {strides = array<i32>} : memref<128x128xf32, #tpu.memory_space<vmem>>, vector<16xf32>,
        tpu.vector_store %arg9[%swap3A_357, %swap3A_358], %select_n3A_356 {strides = array<i32>} : memref<128x128xf32, #tpu.memory_space<vmem>>, vector<16xf32>,
        %select_n3A_360 = arith.select %ne3A_257, %gather3A_341, %get3A_345 : vector<16xi1>, vector<16xf32>
        %swap3A_361 = arith.index_cast %add3A_347 : i32 to index
        %swap3A_362 = arith.constant 48 : index
        %swap3A_363 = tpu.vector_load %arg9[%swap3A_361, %swap3A_362] {strides = array<i32>} : memref<128x128xf32, #tpu.memory_space<vmem>>, vector<16xf32>,
        tpu.vector_store %arg9[%swap3A_361, %swap3A_362], %select_n3A_360 {strides = array<i32>} : memref<128x128xf32, #tpu.memory_space<vmem>>, vector<16xf32>,
        %select_n3A_364 = arith.select %ne3A_263, %gather3A_341, %get3A_345 : vector<16xi1>, vector<16xf32>
        %swap3A_365 = arith.index_cast %add3A_347 : i32 to index
        %swap3A_366 = arith.constant 64 : index
        %swap3A_367 = tpu.vector_load %arg9[%swap3A_365, %swap3A_366] {strides = array<i32>} : memref<128x128xf32, #tpu.memory_space<vmem>>, vector<16xf32>,
        tpu.vector_store %arg9[%swap3A_365, %swap3A_366], %select_n3A_364 {strides = array<i32>} : memref<128x128xf32, #tpu.memory_space<vmem>>, vector<16xf32>,
        %select_n3A_368 = arith.select %ne3A_269, %gather3A_341, %get3A_345 : vector<16xi1>, vector<16xf32>
        %swap3A_369 = arith.index_cast %add3A_347 : i32 to index
        %swap3A_370 = arith.constant 80 : index
        %swap3A_371 = tpu.vector_load %arg9[%swap3A_369, %swap3A_370] {strides = array<i32>} : memref<128x128xf32, #tpu.memory_space<vmem>>, vector<16xf32>,
        tpu.vector_store %arg9[%swap3A_369, %swap3A_370], %select_n3A_368 {strides = array<i32>} : memref<128x128xf32, #tpu.memory_space<vmem>>, vector<16xf32>,
        %select_n3A_372 = arith.select %ne3A_275, %gather3A_341, %get3A_345 : vector<16xi1>, vector<16xf32>
        %swap3A_373 = arith.index_cast %add3A_347 : i32 to index
        %swap3A_374 = arith.constant 96 : index
        %swap3A_375 = tpu.vector_load %arg9[%swap3A_373, %swap3A_374] {strides = array<i32>} : memref<128x128xf32, #tpu.memory_space<vmem>>, vector<16xf32>,
        tpu.vector_store %arg9[%swap3A_373, %swap3A_374], %select_n3A_372 {strides = array<i32>} : memref<128x128xf32, #tpu.memory_space<vmem>>, vector<16xf32>,
        %select_n3A_376 = arith.select %ne3A_281, %gather3A_341, %get3A_345 : vector<16xi1>, vector<16xf32>
        %swap3A_377 = arith.index_cast %add3A_347 : i32 to index
        %swap3A_378 = arith.constant 112 : index
        %swap3A_379 = tpu.vector_load %arg9[%swap3A_377, %swap3A_378] {strides = array<i32>} : memref<128x128xf32, #tpu.memory_space<vmem>>, vector<16xf32>,
        tpu.vector_store %arg9[%swap3A_377, %swap3A_378], %select_n3A_376 {strides = array<i32>} : memref<128x128xf32, #tpu.memory_space<vmem>>, vector<16xf32>,
        %scan3A_380 = arith.constant 2 : i32
        %scan3A_381 = arith.addi %scan3A_298, %scan3A_380 : i32
        %add3A_382 = arith.addi %mul3A_285, %scan3A_381 : i32
        %broadcast_in_dim3A_383 = vector.broadcast %add3A_382 : i32 to vector<16xi32>
        %gather3A_384 = tpu.vector_load_idx %arg5[%broadcast_in_dim3A_383] : memref<12864xf32, #tpu.memory_space<vmem>>[vector<16xi32>], vector<16xf32>,
        %mul3A_385 = arith.constant 16 : i32
        %mul3A_386 = arith.muli %scan3A_381, %mul3A_385 : i32
        %get3A_387 = arith.index_cast %mul3A_386 : i32 to index
        %get3A_388 = tpu.vector_load %arg6[%get3A_387] {strides = array<i32>} : memref<1024xf32, #tpu.memory_space<vmem>>, vector<16xf32>,
        %add3A_389 = arith.constant 64 : i32
        %add3A_390 = arith.addi %add3A_389, %scan3A_381 : i32
        %select_n3A_391 = arith.select %ne3A_239, %gather3A_384, %get3A_388 : vector<16xi1>, vector<16xf32>
        %swap3A_392 = arith.index_cast %add3A_390 : i32 to index
        %swap3A_393 = arith.constant 0 : index
        %swap3A_394 = tpu.vector_load %arg9[%swap3A_392, %swap3A_393] {strides = array<i32>} : memref<128x128xf32, #tpu.memory_space<vmem>>, vector<16xf32>,
        tpu.vector_store %arg9[%swap3A_392, %swap3A_393], %select_n3A_391 {strides = array<i32>} : memref<128x128xf32, #tpu.memory_space<vmem>>, vector<16xf32>,
        %select_n3A_395 = arith.select %ne3A_245, %gather3A_384, %get3A_388 : vector<16xi1>, vector<16xf32>
        %swap3A_396 = arith.index_cast %add3A_390 : i32 to index
        %swap3A_397 = arith.constant 16 : index
        %swap3A_398 = tpu.vector_load %arg9[%swap3A_396, %swap3A_397] {strides = array<i32>} : memref<128x128xf32, #tpu.memory_space<vmem>>, vector<16xf32>,
        tpu.vector_store %arg9[%swap3A_396, %swap3A_397], %select_n3A_395 {strides = array<i32>} : memref<128x128xf32, #tpu.memory_space<vmem>>, vector<16xf32>,
        %select_n3A_399 = arith.select %ne3A_251, %gather3A_384, %get3A_388 : vector<16xi1>, vector<16xf32>
        %swap3A_400 = arith.index_cast %add3A_390 : i32 to index
        %swap3A_401 = arith.constant 32 : index
        %swap3A_402 = tpu.vector_load %arg9[%swap3A_400, %swap3A_401] {strides = array<i32>} : memref<128x128xf32, #tpu.memory_space<vmem>>, vector<16xf32>,
        tpu.vector_store %arg9[%swap3A_400, %swap3A_401], %select_n3A_399 {strides = array<i32>} : memref<128x128xf32, #tpu.memory_space<vmem>>, vector<16xf32>,
        %select_n3A_403 = arith.select %ne3A_257, %gather3A_384, %get3A_388 : vector<16xi1>, vector<16xf32>
        %swap3A_404 = arith.index_cast %add3A_390 : i32 to index
        %swap3A_405 = arith.constant 48 : index
        %swap3A_406 = tpu.vector_load %arg9[%swap3A_404, %swap3A_405] {strides = array<i32>} : memref<128x128xf32, #tpu.memory_space<vmem>>, vector<16xf32>,
        tpu.vector_store %arg9[%swap3A_404, %swap3A_405], %select_n3A_403 {strides = array<i32>} : memref<128x128xf32, #tpu.memory_space<vmem>>, vector<16xf32>,
        %select_n3A_407 = arith.select %ne3A_263, %gather3A_384, %get3A_388 : vector<16xi1>, vector<16xf32>
        %swap3A_408 = arith.index_cast %add3A_390 : i32 to index
        %swap3A_409 = arith.constant 64 : index
        %swap3A_410 = tpu.vector_load %arg9[%swap3A_408, %swap3A_409] {strides = array<i32>} : memref<128x128xf32, #tpu.memory_space<vmem>>, vector<16xf32>,
        tpu.vector_store %arg9[%swap3A_408, %swap3A_409], %select_n3A_407 {strides = array<i32>} : memref<128x128xf32, #tpu.memory_space<vmem>>, vector<16xf32>,
        %select_n3A_411 = arith.select %ne3A_269, %gather3A_384, %get3A_388 : vector<16xi1>, vector<16xf32>
        %swap3A_412 = arith.index_cast %add3A_390 : i32 to index
        %swap3A_413 = arith.constant 80 : index
        %swap3A_414 = tpu.vector_load %arg9[%swap3A_412, %swap3A_413] {strides = array<i32>} : memref<128x128xf32, #tpu.memory_space<vmem>>, vector<16xf32>,
        tpu.vector_store %arg9[%swap3A_412, %swap3A_413], %select_n3A_411 {strides = array<i32>} : memref<128x128xf32, #tpu.memory_space<vmem>>, vector<16xf32>,
        %select_n3A_415 = arith.select %ne3A_275, %gather3A_384, %get3A_388 : vector<16xi1>, vector<16xf32>
        %swap3A_416 = arith.index_cast %add3A_390 : i32 to index
        %swap3A_417 = arith.constant 96 : index
        %swap3A_418 = tpu.vector_load %arg9[%swap3A_416, %swap3A_417] {strides = array<i32>} : memref<128x128xf32, #tpu.memory_space<vmem>>, vector<16xf32>,
        tpu.vector_store %arg9[%swap3A_416, %swap3A_417], %select_n3A_415 {strides = array<i32>} : memref<128x128xf32, #tpu.memory_space<vmem>>, vector<16xf32>,
        %select_n3A_419 = arith.select %ne3A_281, %gather3A_384, %get3A_388 : vector<16xi1>, vector<16xf32>
        %swap3A_420 = arith.index_cast %add3A_390 : i32 to index
        %swap3A_421 = arith.constant 112 : index
        %swap3A_422 = tpu.vector_load %arg9[%swap3A_420, %swap3A_421] {strides = array<i32>} : memref<128x128xf32, #tpu.memory_space<vmem>>, vector<16xf32>,
        tpu.vector_store %arg9[%swap3A_420, %swap3A_421], %select_n3A_419 {strides = array<i32>} : memref<128x128xf32, #tpu.memory_space<vmem>>, vector<16xf32>,
        %scan3A_423 = arith.constant 3 : i32
        %scan3A_424 = arith.addi %scan3A_298, %scan3A_423 : i32
        %add3A_425 = arith.addi %mul3A_285, %scan3A_424 : i32
        %broadcast_in_dim3A_426 = vector.broadcast %add3A_425 : i32 to vector<16xi32>
        %gather3A_427 = tpu.vector_load_idx %arg5[%broadcast_in_dim3A_426] : memref<12864xf32, #tpu.memory_space<vmem>>[vector<16xi32>], vector<16xf32>,
        %mul3A_428 = arith.constant 16 : i32
        %mul3A_429 = arith.muli %scan3A_424, %mul3A_428 : i32
        %get3A_430 = arith.index_cast %mul3A_429 : i32 to index
        %get3A_431 = tpu.vector_load %arg6[%get3A_430] {strides = array<i32>} : memref<1024xf32, #tpu.memory_space<vmem>>, vector<16xf32>,
        %add3A_432 = arith.constant 64 : i32
        %add3A_433 = arith.addi %add3A_432, %scan3A_424 : i32
        %select_n3A_434 = arith.select %ne3A_239, %gather3A_427, %get3A_431 : vector<16xi1>, vector<16xf32>
        %swap3A_435 = arith.index_cast %add3A_433 : i32 to index
        %swap3A_436 = arith.constant 0 : index
        %swap3A_437 = tpu.vector_load %arg9[%swap3A_435, %swap3A_436] {strides = array<i32>} : memref<128x128xf32, #tpu.memory_space<vmem>>, vector<16xf32>,
        tpu.vector_store %arg9[%swap3A_435, %swap3A_436], %select_n3A_434 {strides = array<i32>} : memref<128x128xf32, #tpu.memory_space<vmem>>, vector<16xf32>,
        %select_n3A_438 = arith.select %ne3A_245, %gather3A_427, %get3A_431 : vector<16xi1>, vector<16xf32>
        %swap3A_439 = arith.index_cast %add3A_433 : i32 to index
        %swap3A_440 = arith.constant 16 : index
        %swap3A_441 = tpu.vector_load %arg9[%swap3A_439, %swap3A_440] {strides = array<i32>} : memref<128x128xf32, #tpu.memory_space<vmem>>, vector<16xf32>,
        tpu.vector_store %arg9[%swap3A_439, %swap3A_440], %select_n3A_438 {strides = array<i32>} : memref<128x128xf32, #tpu.memory_space<vmem>>, vector<16xf32>,
        %select_n3A_442 = arith.select %ne3A_251, %gather3A_427, %get3A_431 : vector<16xi1>, vector<16xf32>
        %swap3A_443 = arith.index_cast %add3A_433 : i32 to index
        %swap3A_444 = arith.constant 32 : index
        %swap3A_445 = tpu.vector_load %arg9[%swap3A_443, %swap3A_444] {strides = array<i32>} : memref<128x128xf32, #tpu.memory_space<vmem>>, vector<16xf32>,
        tpu.vector_store %arg9[%swap3A_443, %swap3A_444], %select_n3A_442 {strides = array<i32>} : memref<128x128xf32, #tpu.memory_space<vmem>>, vector<16xf32>,
        %select_n3A_446 = arith.select %ne3A_257, %gather3A_427, %get3A_431 : vector<16xi1>, vector<16xf32>
        %swap3A_447 = arith.index_cast %add3A_433 : i32 to index
        %swap3A_448 = arith.constant 48 : index
        %swap3A_449 = tpu.vector_load %arg9[%swap3A_447, %swap3A_448] {strides = array<i32>} : memref<128x128xf32, #tpu.memory_space<vmem>>, vector<16xf32>,
        tpu.vector_store %arg9[%swap3A_447, %swap3A_448], %select_n3A_446 {strides = array<i32>} : memref<128x128xf32, #tpu.memory_space<vmem>>, vector<16xf32>,
        %select_n3A_450 = arith.select %ne3A_263, %gather3A_427, %get3A_431 : vector<16xi1>, vector<16xf32>
        %swap3A_451 = arith.index_cast %add3A_433 : i32 to index
        %swap3A_452 = arith.constant 64 : index
        %swap3A_453 = tpu.vector_load %arg9[%swap3A_451, %swap3A_452] {strides = array<i32>} : memref<128x128xf32, #tpu.memory_space<vmem>>, vector<16xf32>,
        tpu.vector_store %arg9[%swap3A_451, %swap3A_452], %select_n3A_450 {strides = array<i32>} : memref<128x128xf32, #tpu.memory_space<vmem>>, vector<16xf32>,
        %select_n3A_454 = arith.select %ne3A_269, %gather3A_427, %get3A_431 : vector<16xi1>, vector<16xf32>
        %swap3A_455 = arith.index_cast %add3A_433 : i32 to index
        %swap3A_456 = arith.constant 80 : index
        %swap3A_457 = tpu.vector_load %arg9[%swap3A_455, %swap3A_456] {strides = array<i32>} : memref<128x128xf32, #tpu.memory_space<vmem>>, vector<16xf32>,
        tpu.vector_store %arg9[%swap3A_455, %swap3A_456], %select_n3A_454 {strides = array<i32>} : memref<128x128xf32, #tpu.memory_space<vmem>>, vector<16xf32>,
        %select_n3A_458 = arith.select %ne3A_275, %gather3A_427, %get3A_431 : vector<16xi1>, vector<16xf32>
        %swap3A_459 = arith.index_cast %add3A_433 : i32 to index
        %swap3A_460 = arith.constant 96 : index
        %swap3A_461 = tpu.vector_load %arg9[%swap3A_459, %swap3A_460] {strides = array<i32>} : memref<128x128xf32, #tpu.memory_space<vmem>>, vector<16xf32>,
        tpu.vector_store %arg9[%swap3A_459, %swap3A_460], %select_n3A_458 {strides = array<i32>} : memref<128x128xf32, #tpu.memory_space<vmem>>, vector<16xf32>,
        %select_n3A_462 = arith.select %ne3A_281, %gather3A_427, %get3A_431 : vector<16xi1>, vector<16xf32>
        %swap3A_463 = arith.index_cast %add3A_433 : i32 to index
        %swap3A_464 = arith.constant 112 : index
        %swap3A_465 = tpu.vector_load %arg9[%swap3A_463, %swap3A_464] {strides = array<i32>} : memref<128x128xf32, #tpu.memory_space<vmem>>, vector<16xf32>,
        tpu.vector_store %arg9[%swap3A_463, %swap3A_464], %select_n3A_462 {strides = array<i32>} : memref<128x128xf32, #tpu.memory_space<vmem>>, vector<16xf32>,
      }
      %scan3A_291 = arith.constant 64 : i32
      %mul3A_292 = arith.constant 2 : i32
      %mul3A_293 = arith.muli %add3A_162, %mul3A_292 : i32
      %mul3A_294 = arith.constant 64 : i32
      %mul3A_295 = arith.muli %mul3A_293, %mul3A_294 : i32
      %dma_start3A_296 = tpu.memref_slice %arg4[%mul3A_295, %mul3A_2] : memref<12800x4096xf32, #tpu.memory_space<hbm>> -> memref<128x128xf32, #tpu.memory_space<hbm>>
      %dma_start3A_297 = tpu.memref_slice %arg4[%mul3A_295, %mul3A_2] : memref<12800x4096xf32, #tpu.memory_space<hbm>> -> memref<128x128xf32, #tpu.memory_space<hbm>>
      tpu.enqueue_dma source(%arg9 : memref<128x128xf32, #tpu.memory_space<vmem>>) target(%dma_start3A_297 : memref<128x128xf32, #tpu.memory_space<hbm>>) target_semaphore(%arg11 : memref<!tpu.dma_semaphore, #tpu.memory_space<semaphore_mem>>)
    }
    %scan3A_19 = arith.constant 50 : i32
    %dma_wait3A = arith.constant 0 : i32
    %dma_wait3A_20 = tpu.memref_slice %arg4[%dma_wait3A, %mul3A_2] : memref<12800x4096xf32, #tpu.memory_space<hbm>> -> memref<128x128xf32, #tpu.memory_space<hbm>>
    %dma_wait3A_21 = arith.constant 0 : i32
    %dma_wait3A_22 = tpu.memref_slice %arg4[%dma_wait3A_21, %mul3A_2] : memref<12800x4096xf32, #tpu.memory_space<hbm>> -> memref<128x128xf32, #tpu.memory_space<hbm>>
    tpu.wait_dma2 semaphore(%arg10 : memref<!tpu.dma_semaphore, #tpu.memory_space<semaphore_mem>>) src(%arg8 : memref<128x128xf32, #tpu.memory_space<vmem>>) dst(%dma_wait3A_22 : memref<128x128xf32, #tpu.memory_space<hbm>>)
    %dma_wait3A_23 = arith.constant 0 : i32
    %dma_wait3A_24 = tpu.memref_slice %arg4[%dma_wait3A_23, %mul3A_2] : memref<12800x4096xf32, #tpu.memory_space<hbm>> -> memref<128x128xf32, #tpu.memory_space<hbm>>
    %dma_wait3A_25 = arith.constant 0 : i32
    %dma_wait3A_26 = tpu.memref_slice %arg4[%dma_wait3A_25, %mul3A_2] : memref<12800x4096xf32, #tpu.memory_space<hbm>> -> memref<128x128xf32, #tpu.memory_space<hbm>>
    tpu.wait_dma2 semaphore(%arg11 : memref<!tpu.dma_semaphore, #tpu.memory_space<semaphore_mem>>) src(%arg9 : memref<128x128xf32, #tpu.memory_space<vmem>>) dst(%dma_wait3A_26 : memref<128x128xf32, #tpu.memory_space<hbm>>)
    return
  }
}

</mosaic_0001>

<sc_bundles>
// kernel: kernel.3.cloned.1.call-start
scs
__scs_entry_jumppad:
0x0: {  	(pc) =	sbr.rel $0x88, $3  }
0x1: {  	(tag) =	ssettag $0x0;
	lr =	simm.s32 $0x1  }
0x2: {  	[smem:$0x3F9F] =	sst lr;
	_ =	strace $0xD0000000  }
0x3: {  	_ = 	snop  }
0x4: {  	_ = 	snop  }
0x5: {  	_ = 	snop  }
0x6: {  	_ = 	snop  }
0x7: {  	_ = 	snop  }
__scs_overlays_trampoline_lowered:
0x8: {  	[smem:$0x3FAE] =	sst s0  }
0x9: {  	[smem:$0x3FAF] =	sst s1  }
0xa: {  	[smem:$0x3FB0] =	sst s2  }
0xb: {  	[smem:$0x3FB1] =	sst s3  }
0xc: {  	[smem:$0x3FB2] =	sst s4  }
0xd: {  	[smem:$0x3FB3] =	sst s5  }
0xe: {  	[smem:$0x3FB4] =	sst s6  }
0xf: {  	[smem:$0x3FB5] =	sst s7  }
0x10: {  	[smem:$0x3FB6] =	sst s8  }
0x11: {  	[smem:$0x3FB7] =	sst s9;
	s0 =	simm.s32 @!p0 $0x0  }
0x12: {  	s1 =	sld [smem:$0x3F9D];
	s0 =	simm.s32 @p0 $0x1  }
0x13: {  	[smem:$0x3FB8] =	sst s0;
	s0 =	simm.s32 @!p1 $0x0  }
0x14: {  	s2 =	sld [smem:$0x3F9C];
	s0 =	simm.s32 @p1 $0x1  }
0x15: {  	[smem:$0x3FB9] =	sst s0;
	s0 =	simm.s32 @!p2 $0x0  }
0x16: {  	s3 =	sld [smem:$0x3FDB];
	s0 =	simm.s32 @p2 $0x1  }
0x17: {  	s4 =	simm.s32 $0x1BF5;
	[smem:$0x3FBB] =	sst s0  }
0x18: {  	s0 =	sld [smem:$0x3F9E];
	_ =	swait.ge [sflag:s4], $0x0  }
0x19: {  	s7 =	sld [smem:$0x3F9F]  }
0x1a: {  	s8 =	sadd.s32 $0xFFFFE003, lr  }
0x1b: {  	s9 =	sadd.s32 $0xFFFFFEF7, lr;
	s5 =	simm.s32 $0xFFFFFFFF;
	p2 =	slt.u32 s8, $0xFFFFF086  }
0x1c: {  	p1 =	slt.u32 s9, $0xF7A;
	s5 =	simm.s32 @!p2 $0x0  }
0x1d: {  	s5 =	simm.s32 @p1 $0x1;
	p0 =	seq.s32 s7, s2  }
0x1e: {  	s7 =	smul.u32 @!p0 $0xF7A, s2;
	p2 =	seq.s32 @!p0 s5, $0x0  }
0x1f: {  	s9 =	smul.u32 $0xF7A, s1;
	s8 =	simm.s32 @!p0 $0x1BF5;
	p2 =	por !p2, p0  }
0x20: {  	[sflag:s8] =	ssyncset.s32 @!p0 $0xFFFFF086;
	s6 =	sadd.s32 @!p0 s3, s7;
	s7 =	simm.s32 @!p0 $0x108  }
0x21: {  	s3 =	sadd.s32 s3, s9;
	s6 =	sadd.s32 @!p0 $0x88, s6;
	s7 =	simm.s32 @p2 $0x1082  }
0x22: {  	[simem:s7], [sflag:s8] =	dma.local @!p0 [hbm:s6], $0xF7A  }
0x23: {  	s9 =	sor.u32 $0xD0000000, s2;
	s6 =	simm.s32 $0x108;
	_ =	swait.ge @!p0 [sflag:s8], $0x0  }
0x24: {  	s3 =	sadd.s32 $0x88, s3;
	s6 =	simm.s32 @!p1 $0x1082;
	[sflag:s4] =	ssyncset.s32 $0xFFFFF086  }
0x25: {  	[simem:s6], [sflag:s4] =	dma.local [hbm:s3], $0xF7A  }
0x26: {  	[smem:$0x3F9F] =	sst s1;
	(tag) =	ssettag s2;
	_ =	strace s9  }
0x27: {  	s1 =	sld [smem:$0x3FAF]  }
0x28: {  	s2 =	sld [smem:$0x3FB0]  }
0x29: {  	s4 =	sld [smem:$0x3FB2]  }
0x2a: {  	p0 =	seq.s32 s5, $0x0;
	s5 =	sld [smem:$0x3FB3]  }
0x2b: {  	s6 =	sld [smem:$0x3FB4]  }
0x2c: {  	s7 =	sld [smem:$0x3FB5]  }
0x2d: {  	s3 =	simm.s32 $0x108;
	s8 =	sld [smem:$0x3FB6]  }
0x2e: {  	s3 =	simm.s32 @!p0 $0x1082;
	s9 =	sld [smem:$0x3FB7]  }
0x2f: {  	lr =	sadd.s32 s0, s3;
	s0 =	sld [smem:$0x3FAE]  }
0x30: {  	s3 =	sld [smem:$0x3FB1]  }
0x31: {  	[smem:$0x3FBA] =	sst s10  }
0x32: {  	s10 =	sld [smem:$0x3FB8];
	_ =	sdelay $0x3  }
0x33: {  	p0 =	seq.s32 s10, $0x1;
	s10 =	sld [smem:$0x3FBA];
	_ =	sdelay $0x3  }
0x34: {  	[smem:$0x3FBA] =	sst s10  }
0x35: {  	s10 =	sld [smem:$0x3FB9];
	_ =	sdelay $0x3  }
0x36: {  	p1 =	seq.s32 s10, $0x1;
	s10 =	sld [smem:$0x3FBA];
	_ =	sdelay $0x3  }
0x37: {  	[smem:$0x3FBA] =	sst s10  }
0x38: {  	s10 =	sld [smem:$0x3FBB]  }
0x39: {  	_ = 	snop;
	(pc) =	sbr.ind lr, $3  }
0x3a: {  	_ = 	snop  }
0x3b: {  	_ = 	snop  }
0x3c: {  	p2 =	seq.s32 s10, $0x1;
	s10 =	sld [smem:$0x3FBA]  }
0x3d: {  	_ =	shalt  }
0x3e: {  	_ =	shalt  }
0x3f: {  	_ =	shalt  }
0x40: {  	_ =	shalt  }
0x41: {  	_ =	shalt  }
0x42: {  	_ =	shalt  }
0x43: {  	_ =	shalt  }
0x44: {  	_ =	shalt  }
0x45: {  	_ =	shalt  }
0x46: {  	_ =	shalt  }
0x47: {  	_ =	shalt  }
0x48: {  	_ =	shalt  }
0x49: {  	_ =	shalt  }
0x4a: {  	_ =	shalt  }
0x4b: {  	_ =	shalt  }
0x4c: {  	_ =	shalt  }
0x4d: {  	_ =	shalt  }
0x4e: {  	_ =	shalt  }
0x4f: {  	_ =	shalt  }
0x50: {  	_ =	shalt  }
0x51: {  	_ =	shalt  }
0x52: {  	_ =	shalt  }
0x53: {  	_ =	shalt  }
0x54: {  	_ =	shalt  }
0x55: {  	_ =	shalt  }
0x56: {  	_ =	shalt  }
0x57: {  	_ =	shalt  }
0x58: {  	_ =	shalt  }
0x59: {  	_ =	shalt  }
0x5a: {  	_ =	shalt  }
0x5b: {  	_ =	shalt  }
0x5c: {  	_ =	shalt  }
0x5d: {  	_ =	shalt  }
0x5e: {  	_ =	shalt  }
0x5f: {  	_ =	shalt  }
0x60: {  	_ =	shalt  }
0x61: {  	_ =	shalt  }
0x62: {  	_ =	shalt  }
0x63: {  	_ =	shalt  }
0x64: {  	_ =	shalt  }
0x65: {  	_ =	shalt  }
0x66: {  	_ =	shalt  }
0x67: {  	_ =	shalt  }
0x68: {  	_ =	shalt  }
0x69: {  	_ =	shalt  }
0x6a: {  	_ =	shalt  }
0x6b: {  	_ =	shalt  }
0x6c: {  	_ =	shalt  }
0x6d: {  	_ =	shalt  }
0x6e: {  	_ =	shalt  }
0x6f: {  	_ =	shalt  }
0x70: {  	_ =	shalt  }
0x71: {  	_ =	shalt  }
0x72: {  	_ =	shalt  }
0x73: {  	_ =	shalt  }
0x74: {  	_ =	shalt  }
0x75: {  	_ =	shalt  }
0x76: {  	_ =	shalt  }
0x77: {  	_ =	shalt  }
0x78: {  	_ =	shalt  }
0x79: {  	_ =	shalt  }
0x7a: {  	_ =	shalt  }
0x7b: {  	_ =	shalt  }
0x7c: {  	_ =	shalt  }
0x7d: {  	_ =	shalt  }
0x7e: {  	_ =	shalt  }
0x7f: {  	_ =	shalt  }
0x80: {  	_ =	shalt  }
0x81: {  	_ =	shalt  }
0x82: {  	_ =	shalt  }
0x83: {  	_ =	shalt  }
0x84: {  	_ =	shalt  }
0x85: {  	_ =	shalt  }
0x86: {  	_ =	shalt  }
0x87: {  	_ =	shalt  }
.Lfunc_end0:
.L_simem_size_0:
called_computation_lowered:
.L_overlay_start_0:
0x88: {  	s2 =	sld [smem:$0x3FD9]  }
0x89: {  	s3 =	sld [smem:$0x3FFE];
	_ =	sdelay $0x1  }
0x8a: {  	s1 =	srdreg.scid  }
0x8b: {  	s0 =	sand.u32 $0x1, s1  }
0x8c: {  	s17 =	sshll.u32 s0, $0xA;
	s2 =	sadd.s32 s3, s2  }
0x8d: {  	s2 =	sadd.s32 s2, s17  }
0x8e: {  	[smem:$0x3FC6] =	sst s2  }
0x8f: {  	_ = 	snop  }
0x90: {  	s2 =	sld [smem:$0x3FD0];
	(tm) =	ssettm $0x1  }
0x91: {  	s18 =	sld [smem:$0x3FFB];
	_ =	sdelay $0x3  }
0x92: {  	_ =	strace s18  }
0x93: {  	s3 =	sld [smem:$0x3FFC];
	_ =	sdelay $0x3  }
0x94: {  	_ =	strace s3  }
0x95: {  	s3 =	sld [smem:$0x3FFD];
	_ =	sdelay $0x3  }
0x96: {  	_ =	strace s3  }
0x97: {  	_ =	strace $0x8FFFFFFF  }
0x98: {  	s19 =	sld [smem:$0x3FDB];
	_ =	sdelay $0x1  }
0x99: {  	s4 =	simm.s32 $_scs_section_size  }
0x9a: {  	s5 =	simm.s32 $_size__tile_overlayer_lowered;
	s6 =	simm.s32 $_tile_overlayer_lowered  }
0x9b: {  	s22 =	simm.s32 $0x1BFF;
	s21 =	sshll.u32 s6, $0x1;
	s3 =	sadd.s32 s4, s19  }
0x9c: {  	s7 =	simm.s32 $0x0;
	s20 =	sshll.u32 s5, $0x1;
	s5 =	sadd.s32 s21, s3  }
0x9d: {  	[timem:s7], [sflag:s22] =	dma.local [hbm:s5], s20  }
0x9e: {  	_ =	swait.ge [sflag:s22], s20  }
0x9f: {  	s4 =	ssub.s32 $0x0, s20;
	[sflag:s22] =	ssyncset.done $0x0  }
0xa0: {  	[sflag:s22] =	ssyncadd.s32 s4;
	_ =	sdelay $0x1  }
0xa1: {  	s23 =	simm.s32 $0x1B8B  }
0xa2: {  	_ =	swait.ge [sflag:s23], $0x1  }
0xa3: {  	[sflag:s23] =	ssyncset.done $0x0  }
0xa4: {  	s25 =	simm.s32 $0x1B8E;
	s24 =	sld [smem:$0x3FFE];
	[sflag:s23] =	ssyncadd.s32 $0xFFFFFFFF  }
0xa5: {  	s26 =	simm.s32 $execute0_lowered;
	[smem:$0x3FD2] =	sst s25  }
0xa6: {  	s5 =	sshll.u32 s26, $0x1;
	_ =	strace $0x80000046;
	[dreg:$0x1] =	wrdreg $0xFFFFFFFF  }
0xa7: {  	s28 =	simm.s32 $_size_execute0_lowered;
	s3 =	sadd.s32 s3, s5;
	[dreg:$0x0] =	wrdreg $0x0  }
0xa8: {  	s5 =	sshll.u32 s28, $0x1;
	[dreg:$0x2] =	wrdreg s3  }
0xa9: {  	[dreg:$0x3] =	wrdreg s5  }
0xaa: {  	[dreg:$0x4] =	wrdreg $0xC0  }
0xab: {  	_ =	task [dreg:s7], $0x5FFFF  }
0xac: {  	[dreg:$0x1] =	wrdreg $0xFFFFFFFF  }
0xad: {  	[dreg:$0x0] =	wrdreg $0x60  }
0xae: {  	[dreg:$0x2] =	wrdreg s24  }
0xaf: {  	[dreg:$0x3] =	wrdreg s2  }
0xb0: {  	[dreg:$0x4] =	wrdreg $0x9  }
0xb1: {  	_ =	task.clear_ibuf [dreg:s7], $0x5FFFF;
	_ =	strace $0x90000046  }
0xb2: {  	s29 =	simm.s32 $0x9;
	_ =	strace $0x80000048  }
0xb3: {  	_ =	swait.ge [sflag:s29], $0x1  }
0xb4: {  	[sflag:s29] =	ssyncadd.s32 $0xFFFFFFFF  }
0xb5: {  	_ =	strace $0x90000048  }
0xb6: {  	_ =	sfence  }
0xb7: {  	s30 =	sld [smem:$0x0];
	_ =	sdelay $0x2  }
0xb8: {  	s31 =	sshll.u32 s1, $0xD;
	s1 =	sshrl.u32 s1, $0x2  }
0xb9: {  	s3 =	sand.u32 $0x4000, s31;
	s1 =	sadd.s32 s1, s30  }
0xba: {  	s0 =	sor.u32 s3, s0;
	s1 =	sshll.u32 s1, $0x11  }
0xbb: {  	s0 =	sor.u32 s1, s0  }
0xbc: {  	s0 =	sadd.s32 $0x8F2B, s0  }
0xbd: {  	[sflag:s0] =	ssyncadd.remote.s32 $0x1  }
0xbe: {  	_ =	sfence.sel $0xFFFF  }
0xbf: {  	[dreg:$0x0] =	wrdreg $0xFFFFFFFF;
	(pc) =	sbr.abs _section_cstart, $3  }
0xc0: {  	[dreg:$0x1] =	wrdreg $0xFFFFFFFF  }
0xc1: {  	_ =	task.clear_ibuf [dreg:s7], $0x2FFFF;
	_ =	strace $0x9FFFFFFF  }
0xc2: {  	(tm) =	ssettm $0x7FFFFFFF  }
0xc3: {  	_ =	shalt  }
tec
execute0_lowered:
.L_overlay_start_1:
0x0: {  	(tag) =	ssettag $0x1  }
0x1: {  	s4 =	rddreg [dreg:$0x0];
	s1 =	srdreg.scid  }
0x2: {  	s0 =	stileid.u32;
	s2 =	rddreg [dreg:$0x1];
	s3 =	simm.s32 $0x0  }
0x3: {  	s9 =	simm.s32 $0x3680;
	s10 =	simm.s32 $0x400;
	s11 =	simm.s32 $0x8000  }
0x4: {  	s12 =	simm.s32 $0x9B00;
	s13 =	simm.s32 $0xDB00;
	s14 =	simm.s32 $0x1  }
0x5: {  	s15 =	simm.s32 $0x2;
	s5 =	sand.u32 $0x1, s1;
	s6 =	sshll.u32 s0, $0x1  }
0x6: {  	s16 =	simm.s32 $0x0;
	s1 =	rddreg [dreg:$0x2];
	s6 =	sor.u32 s5, s6  }
0x7: {  	[smem:$0x7FF] =	sst s3;
	s5 =	ssub.s32 $0x2, s5;
	s7 =	smul.u32 $0xC80, s6  }
0x8: {  	_ =	strace $0x80000047;
	s8 =	sshrl.u32 s5, $0x1;
	s6 =	sshll.u32 s6, $0xA  }
0x9: {  	v0 =	vlaneseq.u32;
	s8 =	ssub.s32 s5, s8;
	s7 =	sadd.s32 s7, s4;
	s4 =	sadd.s32 $0x400, s4  }
0xa: {  	v0 =	vmul.u32 $0xC8, v0;
	s5 =	sadd.s32 $0x2400, s7;
	s7 =	smax.u32 s8, $0x1;
	s8 =	simm.s32 $0x3  }
.LBB2_1:
0xb: {  	[tilespmem:s3], [sflag:$0x3] =	stream.linear.gather [hbm4b:s4+s3], $0x3240, $0x38;
	[tilespmem:$0x11B00] =	vst v63  }
0xc: {  	_ =	swait.ge [sflag:s8], $0x3240  }
0xd: {  	[sflag:s8] =	ssyncset.done $0x0  }
0xe: {  	v1 =	vmov s3;
	[sflag:s8] =	ssyncadd.s32 $0xFFFFCDC0  }
0xf: {  	[tilespmem:s9], [sflag:$0x3] =	stream.linear.gather [hbm4b:s5+s3], $0x6400, $0x38;
	[tilespmem:$0x11B00] =	vst v63  }
0x10: {  	_ =	swait.ge [sflag:s8], $0x6400  }
0x11: {  	[sflag:s8] =	ssyncset.done $0x0  }
0x12: {  	[sflag:s8] =	ssyncadd.s32 $0xFFFF9C00  }
0x13: {  	s17 =	simm.s32 $0x1;
	v1 =	vld.idx.msk [tilespmem:v1+s3+$0x0], $0xffff  }
0x14: {  	v2 =	vmov s17;
	_ =	sdelay $0x2  }
0x15: {  	s18 =	simm.s32 $0x3280  }
0x16: {  	[tilespmem:s18+$0x0] =	vst v1  }
0x17: {  	s31 =	simm.s32 $0x2;
	v1 =	vld.idx.msk [tilespmem:v2+s3+$0x0], $0xffff  }
0x18: {  	s19 =	simm.s32 $0x3;
	v2 =	vmov s31  }
.LBB2_2:
0x19: {  	p0 =	sne.s32 s19, $0x3F;
	_ =	sdelay $0x1  }
.Ltmp0:
0x1a: {  	s18 =	sadd.s32 $0x10, s18;
	(pc) =	sbr.rel @p0 .LBB2_2-.Ltmp0, $3  }
0x1b: {  	s17 =	simm.s32 $0x0;
	[tilespmem:s18+$0x0] =	vst v1  }
0x1c: {  	v1 =	vld.idx.msk [tilespmem:v2+s17+$0x0], $0xffff;
	_ =	sdelay $0x1  }
0x1d: {  	v2 =	vmov s19;
	s19 =	sadd.s32 $0x1, s19  }
0x1e: {  	_ =	sdelay $0x1  }
0x1f: {  	s18 =	sadd.s32 $0x10, s18  }
0x20: {  	[tilespmem:s18+$0x0] =	vst v1  }
0x21: {  	v1 =	vld.idx.msk [tilespmem:v2+s17+$0x0], $0xffff;
	_ =	sdelay $0x3  }
0x22: {  	s18 =	sadd.s32 $0x10, s18  }
0x23: {  	[tilespmem:s18+$0x0] =	vst v1;
	s18 =	simm.s32 $0x0  }
.LBB2_4:
0x24: {  	s22 =	sadd.s32 $0xFFFFFFFC, s17  }
0x25: {  	s19 =	sshll.u32 s18, $0x2;
	s20 =	sadd.s32 $0x44, s22  }
0x26: {  	p0 =	seq.s32 s18, $0x0;
	v1 =	vadd.s32 s19, v0;
	v2 =	vmov s20  }
0x27: {  	s24 =	sadd.s32 $0x5780, s19;
	s20 =	simm.s32 @!p0 $0x1;
	v2 =	vand.u32 $0xFFFFFFFC, v2  }
0x28: {  	v4 =	vadd.s32 s24, v0;
	_ =	swait.ge @!p0 [sflag:s20], $0x4000;
	v2 =	vbroadcast v2, $0x0  }
0x29: {  	s21 =	sadd.s32 $0xC80, s19;
	[sflag:s20] =	ssyncset.done @!p0 $0x0  }
0x2a: {  	s26 =	sadd.s32 $0x3E80, s19;
	v3 =	vadd.s32 s21, v0;
	[sflag:s20] =	ssyncadd.s32 @!p0 $0xFFFFC000  }
0x2b: {  	s28 =	sor.u32 $0x4B00, s19;
	v6 =	vadd.s32 s26, v0;
	s20 =	simm.s32 $0x32A0;
	v1 =	vld.idx.msk [tilespmem:v1+s9+$0x0], $0xffff  }
0x2c: {  	s25 =	sor.u32 $0x1900, s19;
	v7 =	vadd.s32 s28, v0;
	v10 =	vld [tilespmem:s20+$0xFFFFFFE0]  }
0x2d: {  	s29 =	sadd.s32 $0x2580, s19;
	v5 =	vadd.s32 s25, v0;
	v4 =	vld.idx.msk [tilespmem:v4+s9+$0x0], $0xffff  }
0x2e: {  	s30 =	sor.u32 $0x3200, s19;
	v8 =	vadd.s32 s29, v0;
	v2 =	vld.idx.msk [tilespmem:v2+s3+$0x0], $0xffff  }
0x2f: {  	v9 =	vadd.s32 s30, v0;
	v3 =	vld.idx.msk [tilespmem:v3+s9+$0x0], $0xffff  }
0x30: {  	v6 =	vld.idx.msk [tilespmem:v6+s9+$0x0], $0xffff  }
0x31: {  	v7 =	vld.idx.msk [tilespmem:v7+s9+$0x0], $0xffff  }
0x32: {  	v5 =	vld.idx.msk [tilespmem:v5+s9+$0x0], $0xffff;
	vm3 =	veq.s32 v1, $0x0  }
0x33: {  	s21 =	simm.s32 $0x9C00;
	v8 =	vld.idx.msk [tilespmem:v8+s9+$0x0], $0xffff;
	vm1 =	veq.s32 v4, $0x0;
	v53 =	vsel vm3, v10, v2  }
0x34: {  	s23 =	sadd.s32 $0x45, s22;
	v1 =	vld.idx.msk [tilespmem:v9+s9+$0x0], $0xffff;
	vm0 =	veq.s32 v3, $0x0;
	v54 =	vsel vm1, v10, v2;
	[tilespmem:s21+$0xFFFFFF00] =	vst v53  }
0x35: {  	v3 =	vmov s23;
	vm4 =	veq.s32 v6, $0x0;
	v55 =	vsel vm0, v10, v2;
	[tilespmem:s21+$0xFFFFFF70] =	vst v54  }
0x36: {  	vm2 =	veq.s32 v7, $0x0;
	v3 =	vand.u32 $0xFFFFFFFD, v3;
	v6 =	vsel vm4, v10, v2;
	[tilespmem:s21+$0xFFFFFF10] =	vst v55  }
0x37: {  	vm5 =	veq.s32 v5, $0x0;
	v3 =	vbroadcast v3, $0x0;
	v56 =	vsel vm2, v10, v2;
	[tilespmem:s21+$0xFFFFFF50] =	vst v6  }
0x38: {  	vm7 =	veq.s32 v8, $0x0;
	v5 =	vsel vm5, v10, v2;
	[tilespmem:s21+$0xFFFFFF60] =	vst v56  }
0x39: {  	vm6 =	veq.s32 v1, $0x0;
	v1 =	vsel vm7, v10, v2;
	[tilespmem:s21+$0xFFFFFF20] =	vst v5  }
0x3a: {  	v2 =	vsel vm6, v10, v2;
	[tilespmem:s21+$0xFFFFFF30] =	vst v1  }
0x3b: {  	[tilespmem:s21+$0xFFFFFF40] =	vst v2  }
0x3c: {  	v2 =	vld [tilespmem:s20+$0xFFFFFFF0]  }
0x3d: {  	v1 =	vld.idx.msk [tilespmem:v3+s3+$0x0], $0xffff;
	_ =	sdelay $0x4  }
0x3e: {  	s31 =	sadd.s32 $0x46, s22;
	v3 =	vsel vm3, v2, v1  }
0x3f: {  	v57 =	vmov s31;
	v58 =	vsel vm0, v2, v1;
	[tilespmem:s21+$0xFFFFFF80] =	vst v3  }
0x40: {  	v59 =	vsel vm5, v2, v1;
	v3 =	vand.u32 $0xFFFFFFFE, v57;
	[tilespmem:s21+$0xFFFFFF90] =	vst v58  }
0x41: {  	v60 =	vsel vm4, v2, v1;
	[tilespmem:s21+$0xFFFFFFA0] =	vst v59;
	v3 =	vbroadcast v3, $0x0  }
0x42: {  	v61 =	vsel vm1, v2, v1;
	[tilespmem:s21+$0xFFFFFFD0] =	vst v60  }
0x43: {  	v62 =	vsel vm6, v2, v1;
	[tilespmem:s21+$0xFFFFFFF0] =	vst v61  }
0x44: {  	v63 =	vsel vm7, v2, v1;
	[tilespmem:s21+$0xFFFFFFC0] =	vst v62  }
0x45: {  	v1 =	vsel vm2, v2, v1;
	[tilespmem:s21+$0xFFFFFFB0] =	vst v63  }
0x46: {  	s24 =	simm.s32 $0x0;
	s26 =	sadd.s32 $0x47, s22;
	[tilespmem:s21+$0xFFFFFFE0] =	vst v1  }
0x47: {  	s25 =	simm.s32 $0x32A0;
	s22 =	simm.s32 $0x9C00;
	s23 =	sor.u32 $0x1, s19;
	v1 =	vld.idx.msk [tilespmem:v3+s3+$0x0], $0xffff  }
.LBB2_5:
0x48: {  	s25 =	sadd.s32 $0x40, s25  }
0x49: {  	v2 =	vld [tilespmem:s20+$0x0];
	s21 =	sadd.s32 $0x200, s21;
	s28 =	smov.u32 s24;
	s24 =	sadd.s32 $0x4, s24  }
0x4a: {  	p1 =	slt.u32 s24, $0x3C;
	_ =	sdelay $0x3  }
0x4b: {  	v3 =	vsel vm3, v2, v1;
	v4 =	vsel vm0, v2, v1;
	v5 =	vsel vm5, v2, v1  }
0x4c: {  	v6 =	vsel vm6, v2, v1;
	v7 =	vsel vm4, v2, v1;
	[tilespmem:s22+$0x0] =	vst v3;
	v3 =	vsel vm7, v2, v1  }
0x4d: {  	[tilespmem:s22+$0x20] =	vst v5;
	v5 =	vsel vm2, v2, v1;
	v1 =	vsel vm1, v2, v1  }
0x4e: {  	[tilespmem:s22+$0x10] =	vst v4  }
0x4f: {  	v2 =	vmov s26;
	[tilespmem:s22+$0x40] =	vst v6  }
0x50: {  	[tilespmem:s22+$0x50] =	vst v7  }
0x51: {  	[tilespmem:s22+$0x30] =	vst v3  }
0x52: {  	[tilespmem:s22+$0x60] =	vst v5  }
0x53: {  	[tilespmem:s22+$0x70] =	vst v1  }
0x54: {  	v1 =	vld.idx.msk [tilespmem:v2+s3+$0x0], $0xffff  }
0x55: {  	v2 =	vld [tilespmem:s20+$0x10];
	s20 =	smov.u32 s25;
	_ =	sdelay $0x3  }
0x56: {  	s26 =	sadd.s32 s28, s17  }
0x57: {  	s28 =	sadd.s32 $0x44, s26;
	s29 =	sadd.s32 $0x45, s26;
	s30 =	sadd.s32 $0x46, s26;
	v3 =	vsel vm3, v2, v1;
	v4 =	vsel vm0, v2, v1;
	v5 =	vsel vm5, v2, v1  }
0x58: {  	s26 =	sadd.s32 $0x47, s26;
	v6 =	vmov s28;
	v7 =	vsel vm6, v2, v1;
	[tilespmem:s22+$0x80] =	vst v3;
	v3 =	vsel vm7, v2, v1  }
0x59: {  	v6 =	vand.u32 $0xFFFFFFFC, v6;
	v8 =	vsel vm2, v2, v1;
	[tilespmem:s22+$0xB0] =	vst v3;
	v3 =	vsel vm4, v2, v1  }
0x5a: {  	v9 =	vmov s29;
	v6 =	vbroadcast v6, $0x0;
	v1 =	vsel vm1, v2, v1;
	[tilespmem:s22+$0xD0] =	vst v3  }
0x5b: {  	v2 =	vand.u32 $0xFFFFFFFD, v9;
	v3 =	vmov s30;
	[tilespmem:s22+$0xA0] =	vst v5  }
0x5c: {  	v3 =	vand.u32 $0xFFFFFFFE, v3;
	[tilespmem:s22+$0xC0] =	vst v7  }
0x5d: {  	[tilespmem:s22+$0xF0] =	vst v1  }
0x5e: {  	[tilespmem:s22+$0x90] =	vst v4  }
0x5f: {  	[tilespmem:s22+$0xE0] =	vst v8;
	s22 =	smov.u32 s21  }
0x60: {  	v1 =	vld.idx.msk [tilespmem:v6+s3+$0x0], $0xffff  }
0x61: {  	v4 =	vld [tilespmem:s25+$0xFFFFFFE0];
	_ =	sdelay $0x4  }
0x62: {  	v5 =	vsel vm3, v4, v1;
	v6 =	vsel vm0, v4, v1;
	v7 =	vsel vm1, v4, v1  }
0x63: {  	v8 =	vsel vm7, v4, v1;
	v9 =	vsel vm4, v4, v1;
	[tilespmem:s21+$0xFFFFFF00] =	vst v5;
	v5 =	vsel vm5, v4, v1  }
0x64: {  	v10 =	vsel vm6, v4, v1;
	v1 =	vsel vm2, v4, v1;
	[tilespmem:s21+$0xFFFFFF70] =	vst v7  }
0x65: {  	v2 =	vbroadcast v2, $0x0;
	[tilespmem:s21+$0xFFFFFF10] =	vst v6  }
0x66: {  	[tilespmem:s21+$0xFFFFFF50] =	vst v9  }
0x67: {  	[tilespmem:s21+$0xFFFFFF60] =	vst v1  }
0x68: {  	[tilespmem:s21+$0xFFFFFF20] =	vst v5  }
0x69: {  	[tilespmem:s21+$0xFFFFFF30] =	vst v8  }
0x6a: {  	[tilespmem:s21+$0xFFFFFF40] =	vst v10  }
0x6b: {  	v1 =	vld.idx.msk [tilespmem:v2+s3+$0x0], $0xffff  }
0x6c: {  	v2 =	vld [tilespmem:s25+$0xFFFFFFF0];
	_ =	sdelay $0x4  }
0x6d: {  	v4 =	vsel vm3, v2, v1;
	v5 =	vsel vm0, v2, v1;
	v6 =	vsel vm5, v2, v1  }
0x6e: {  	v7 =	vsel vm6, v2, v1;
	v8 =	vsel vm4, v2, v1;
	[tilespmem:s21+$0xFFFFFF80] =	vst v4;
	v4 =	vsel vm7, v2, v1  }
0x6f: {  	[tilespmem:s21+$0xFFFFFF90] =	vst v5;
	v5 =	vsel vm2, v2, v1;
	v1 =	vsel vm1, v2, v1  }
0x70: {  	v2 =	vbroadcast v3, $0x0;
	[tilespmem:s21+$0xFFFFFFA0] =	vst v6  }
0x71: {  	[tilespmem:s21+$0xFFFFFFD0] =	vst v8  }
.Ltmp1:
0x72: {  	[tilespmem:s21+$0xFFFFFFF0] =	vst v1;
	(pc) =	sbr.rel @p1 .LBB2_5-.Ltmp1, $4  }
0x73: {  	[tilespmem:s21+$0xFFFFFFC0] =	vst v7  }
0x74: {  	[tilespmem:s21+$0xFFFFFFB0] =	vst v4  }
0x75: {  	[tilespmem:s21+$0xFFFFFFE0] =	vst v5  }
0x76: {  	v1 =	vld.idx.msk [tilespmem:v2+s3+$0x0], $0xffff  }
0x77: {  	v2 =	vld [tilespmem:s20+$0x0];
	_ =	sdelay $0x4  }
0x78: {  	v3 =	vsel vm3, v2, v1  }
0x79: {  	v4 =	vsel vm5, v2, v1;
	[tilespmem:s22+$0x0] =	vst v3  }
0x7a: {  	v45 =	vsel vm6, v2, v1;
	[tilespmem:s22+$0x20] =	vst v4  }
0x7b: {  	v5 =	vsel vm7, v2, v1;
	[tilespmem:s22+$0x40] =	vst v45  }
0x7c: {  	v46 =	vmov s26;
	v3 =	vsel vm0, v2, v1;
	[tilespmem:s22+$0x30] =	vst v5  }
0x7d: {  	[tilespmem:s22+$0x10] =	vst v3;
	v3 =	vsel vm4, v2, v1  }
0x7e: {  	[tilespmem:s22+$0x50] =	vst v3;
	v3 =	vsel vm2, v2, v1  }
0x7f: {  	v1 =	vsel vm1, v2, v1;
	[tilespmem:s22+$0x60] =	vst v3  }
0x80: {  	[tilespmem:s22+$0x70] =	vst v1  }
0x81: {  	v1 =	vld.idx.msk [tilespmem:v46+s3+$0x0], $0xffff  }
0x82: {  	v2 =	vld [tilespmem:s20+$0x10];
	_ =	sdelay $0x4  }
0x83: {  	v3 =	vsel vm3, v2, v1  }
0x84: {  	s21 =	sadd.s32 $0xFFFFFFFC, s17;
	v4 =	vsel vm5, v2, v1;
	[tilespmem:s22+$0x80] =	vst v3  }
0x85: {  	s30 =	sadd.s32 $0x84, s21;
	v6 =	vsel vm1, v2, v1;
	[tilespmem:s22+$0xA0] =	vst v4  }
0x86: {  	v48 =	vmov s30;
	v7 =	vsel vm0, v2, v1;
	[tilespmem:s22+$0xF0] =	vst v6  }
0x87: {  	v47 =	vadd.s32 s23, v0;
	s23 =	sadd.s32 $0x5781, s19;
	v5 =	vand.u32 $0xFFFFFFFC, v48;
	v3 =	vsel vm7, v2, v1;
	[tilespmem:s22+$0x90] =	vst v7  }
0x88: {  	v49 =	vadd.s32 s23, v0;
	v5 =	vbroadcast v5, $0x0;
	[tilespmem:s22+$0xB0] =	vst v3;
	v3 =	vsel vm4, v2, v1  }
0x89: {  	[tilespmem:s22+$0xD0] =	vst v3;
	v3 =	vsel vm6, v2, v1  }
0x8a: {  	s25 =	sadd.s32 $0x3E81, s19;
	v1 =	vsel vm2, v2, v1;
	[tilespmem:s22+$0xC0] =	vst v3  }
0x8b: {  	s26 =	sor.u32 $0x4B01, s19;
	v50 =	vadd.s32 s25, v0;
	[tilespmem:s22+$0xE0] =	vst v1  }
0x8c: {  	s31 =	sadd.s32 $0xC81, s19;
	v51 =	vadd.s32 s26, v0;
	v1 =	vld.idx.msk [tilespmem:v47+s9+$0x0], $0xffff  }
0x8d: {  	s24 =	sor.u32 $0x1901, s19;
	v3 =	vadd.s32 s31, v0;
	v6 =	vld.idx.msk [tilespmem:v49+s9+$0x0], $0xffff  }
0x8e: {  	s28 =	sadd.s32 $0x2581, s19;
	s29 =	sor.u32 $0x3201, s19;
	s19 =	simm.s32 $0x32A0;
	v2 =	vadd.s32 s24, v0;
	v5 =	vld.idx.msk [tilespmem:v5+s3+$0x0], $0xffff  }
0x8f: {  	v10 =	vld [tilespmem:s19+$0xFFFFFFE0]  }
0x90: {  	v8 =	vadd.s32 s28, v0;
	v4 =	vld.idx.msk [tilespmem:v50+s9+$0x0], $0xffff  }
0x91: {  	v9 =	vadd.s32 s29, v0;
	v7 =	vld.idx.msk [tilespmem:v51+s9+$0x0], $0xffff  }
0x92: {  	v3 =	vld.idx.msk [tilespmem:v3+s9+$0x0], $0xffff  }
0x93: {  	v2 =	vld.idx.msk [tilespmem:v2+s9+$0x0], $0xffff  }
0x94: {  	vm3 =	veq.s32 v1, $0x0  }
0x95: {  	s20 =	simm.s32 $0xBCF0;
	v8 =	vld.idx.msk [tilespmem:v8+s9+$0x0], $0xffff;
	vm0 =	veq.s32 v6, $0x0;
	v52 =	vsel vm3, v10, v5  }
0x96: {  	s30 =	sadd.s32 $0x85, s21;
	v1 =	vld.idx.msk [tilespmem:v9+s9+$0x0], $0xffff;
	vm4 =	veq.s32 v4, $0x0;
	vm2 =	veq.s32 v7, $0x0;
	v53 =	vsel vm0, v10, v5;
	[tilespmem:s20+$0xFFFFFE10] =	vst v52  }
0x97: {  	v55 =	vsel vm4, v10, v5;
	[tilespmem:s20+$0xFFFFFE80] =	vst v53;
	vm1 =	veq.s32 v3, $0x0;
	v3 =	vmov s30  }
0x98: {  	[tilespmem:s20+$0xFFFFFE60] =	vst v55;
	vm5 =	veq.s32 v2, $0x0;
	v2 =	vsel vm2, v10, v5;
	v3 =	vand.u32 $0xFFFFFFFD, v3  }
0x99: {  	v56 =	vsel vm5, v10, v5;
	[tilespmem:s20+$0xFFFFFE70] =	vst v2;
	v3 =	vbroadcast v3, $0x0  }
0x9a: {  	vm7 =	veq.s32 v8, $0x0;
	v54 =	vsel vm1, v10, v5;
	[tilespmem:s20+$0xFFFFFE30] =	vst v56  }
0x9b: {  	vm6 =	veq.s32 v1, $0x0;
	v1 =	vsel vm7, v10, v5;
	[tilespmem:s20+$0xFFFFFE20] =	vst v54  }
0x9c: {  	v2 =	vsel vm6, v10, v5;
	[tilespmem:s20+$0xFFFFFE40] =	vst v1  }
0x9d: {  	[tilespmem:s20+$0xFFFFFE50] =	vst v2  }
0x9e: {  	v2 =	vld [tilespmem:s19+$0xFFFFFFF0]  }
0x9f: {  	v1 =	vld.idx.msk [tilespmem:v3+s3+$0x0], $0xffff;
	_ =	sdelay $0x4  }
0xa0: {  	s31 =	sadd.s32 $0x86, s21;
	v3 =	vsel vm3, v2, v1  }
0xa1: {  	v57 =	vmov s31;
	v58 =	vsel vm1, v2, v1;
	[tilespmem:s20+$0xFFFFFE90] =	vst v3  }
0xa2: {  	v59 =	vsel vm5, v2, v1;
	v3 =	vand.u32 $0xFFFFFFFE, v57;
	[tilespmem:s20+$0xFFFFFEA0] =	vst v58  }
0xa3: {  	v60 =	vsel vm4, v2, v1;
	[tilespmem:s20+$0xFFFFFEB0] =	vst v59;
	v3 =	vbroadcast v3, $0x0  }
0xa4: {  	v61 =	vsel vm0, v2, v1;
	[tilespmem:s20+$0xFFFFFEE0] =	vst v60  }
0xa5: {  	v62 =	vsel vm6, v2, v1;
	[tilespmem:s20+$0xFFFFFF00] =	vst v61  }
0xa6: {  	v63 =	vsel vm7, v2, v1;
	[tilespmem:s20+$0xFFFFFED0] =	vst v62  }
0xa7: {  	v1 =	vsel vm2, v2, v1;
	[tilespmem:s20+$0xFFFFFEC0] =	vst v63  }
0xa8: {  	s23 =	simm.s32 $0x32A0;
	[tilespmem:s20+$0xFFFFFEF0] =	vst v1  }
0xa9: {  	s24 =	sadd.s32 $0x87, s21;
	s22 =	simm.s32 $0x0;
	s21 =	simm.s32 $0xBCF0;
	v1 =	vld.idx.msk [tilespmem:v3+s3+$0x0], $0xffff  }
.LBB2_7:
0xaa: {  	s20 =	sadd.s32 $0x200, s20  }
0xab: {  	v2 =	vld [tilespmem:s19+$0x0];
	s23 =	sadd.s32 $0x40, s23;
	s25 =	smov.u32 s22;
	s22 =	sadd.s32 $0x4, s22  }
0xac: {  	p1 =	slt.u32 s22, $0x3C;
	_ =	sdelay $0x3  }
0xad: {  	v3 =	vsel vm3, v2, v1;
	v4 =	vsel vm1, v2, v1;
	v5 =	vsel vm5, v2, v1  }
0xae: {  	v6 =	vsel vm6, v2, v1;
	v7 =	vsel vm4, v2, v1;
	[tilespmem:s21+$0xFFFFFF10] =	vst v3;
	v3 =	vsel vm7, v2, v1  }
0xaf: {  	[tilespmem:s21+$0xFFFFFF30] =	vst v5;
	v5 =	vsel vm2, v2, v1;
	v1 =	vsel vm0, v2, v1  }
0xb0: {  	[tilespmem:s21+$0xFFFFFF20] =	vst v4  }
0xb1: {  	v2 =	vmov s24;
	[tilespmem:s21+$0xFFFFFF50] =	vst v6  }
0xb2: {  	[tilespmem:s21+$0xFFFFFF60] =	vst v7  }
0xb3: {  	[tilespmem:s21+$0xFFFFFF40] =	vst v3  }
0xb4: {  	[tilespmem:s21+$0xFFFFFF70] =	vst v5  }
0xb5: {  	[tilespmem:s21+$0xFFFFFF80] =	vst v1  }
0xb6: {  	v1 =	vld.idx.msk [tilespmem:v2+s3+$0x0], $0xffff  }
0xb7: {  	v2 =	vld [tilespmem:s19+$0x10];
	s19 =	smov.u32 s23;
	_ =	sdelay $0x3  }
0xb8: {  	s24 =	sadd.s32 s25, s17  }
0xb9: {  	s25 =	sadd.s32 $0x84, s24;
	s26 =	sadd.s32 $0x85, s24;
	s28 =	sadd.s32 $0x86, s24;
	v3 =	vsel vm3, v2, v1;
	v4 =	vsel vm1, v2, v1;
	v5 =	vsel vm5, v2, v1  }
0xba: {  	s24 =	sadd.s32 $0x87, s24;
	v6 =	vmov s25;
	v7 =	vsel vm6, v2, v1;
	[tilespmem:s21+$0xFFFFFF90] =	vst v3;
	v3 =	vsel vm7, v2, v1  }
0xbb: {  	v6 =	vand.u32 $0xFFFFFFFC, v6;
	v8 =	vsel vm2, v2, v1;
	[tilespmem:s21+$0xFFFFFFC0] =	vst v3;
	v3 =	vsel vm4, v2, v1  }
0xbc: {  	v9 =	vmov s26;
	v6 =	vbroadcast v6, $0x0;
	v1 =	vsel vm0, v2, v1;
	[tilespmem:s21+$0xFFFFFFE0] =	vst v3  }
0xbd: {  	v2 =	vand.u32 $0xFFFFFFFD, v9;
	v3 =	vmov s28;
	[tilespmem:s21+$0xFFFFFFB0] =	vst v5  }
0xbe: {  	v3 =	vand.u32 $0xFFFFFFFE, v3;
	[tilespmem:s21+$0xFFFFFFD0] =	vst v7  }
0xbf: {  	[tilespmem:s21+$0x0] =	vst v1  }
0xc0: {  	[tilespmem:s21+$0xFFFFFFA0] =	vst v4  }
0xc1: {  	[tilespmem:s21+$0xFFFFFFF0] =	vst v8;
	s21 =	smov.u32 s20  }
0xc2: {  	v1 =	vld.idx.msk [tilespmem:v6+s3+$0x0], $0xffff  }
0xc3: {  	v4 =	vld [tilespmem:s23+$0xFFFFFFE0];
	_ =	sdelay $0x4  }
0xc4: {  	v5 =	vsel vm3, v4, v1;
	v6 =	vsel vm1, v4, v1;
	v7 =	vsel vm0, v4, v1  }
0xc5: {  	v8 =	vsel vm7, v4, v1;
	v9 =	vsel vm4, v4, v1;
	[tilespmem:s20+$0xFFFFFE10] =	vst v5;
	v5 =	vsel vm5, v4, v1  }
0xc6: {  	v10 =	vsel vm6, v4, v1;
	v1 =	vsel vm2, v4, v1;
	[tilespmem:s20+$0xFFFFFE80] =	vst v7  }
0xc7: {  	v2 =	vbroadcast v2, $0x0;
	[tilespmem:s20+$0xFFFFFE20] =	vst v6  }
0xc8: {  	[tilespmem:s20+$0xFFFFFE60] =	vst v9  }
0xc9: {  	[tilespmem:s20+$0xFFFFFE70] =	vst v1  }
0xca: {  	[tilespmem:s20+$0xFFFFFE30] =	vst v5  }
0xcb: {  	[tilespmem:s20+$0xFFFFFE40] =	vst v8  }
0xcc: {  	[tilespmem:s20+$0xFFFFFE50] =	vst v10  }
0xcd: {  	v1 =	vld.idx.msk [tilespmem:v2+s3+$0x0], $0xffff  }
0xce: {  	v2 =	vld [tilespmem:s23+$0xFFFFFFF0];
	_ =	sdelay $0x4  }
0xcf: {  	v4 =	vsel vm3, v2, v1;
	v5 =	vsel vm1, v2, v1;
	v6 =	vsel vm5, v2, v1  }
0xd0: {  	v7 =	vsel vm6, v2, v1;
	v8 =	vsel vm4, v2, v1;
	[tilespmem:s20+$0xFFFFFE90] =	vst v4;
	v4 =	vsel vm7, v2, v1  }
0xd1: {  	[tilespmem:s20+$0xFFFFFEA0] =	vst v5;
	v5 =	vsel vm2, v2, v1;
	v1 =	vsel vm0, v2, v1  }
0xd2: {  	v2 =	vbroadcast v3, $0x0;
	[tilespmem:s20+$0xFFFFFEB0] =	vst v6  }
0xd3: {  	[tilespmem:s20+$0xFFFFFEE0] =	vst v8  }
.Ltmp2:
0xd4: {  	[tilespmem:s20+$0xFFFFFF00] =	vst v1;
	(pc) =	sbr.rel @p1 .LBB2_7-.Ltmp2, $4  }
0xd5: {  	[tilespmem:s20+$0xFFFFFED0] =	vst v7  }
0xd6: {  	[tilespmem:s20+$0xFFFFFEC0] =	vst v4  }
0xd7: {  	[tilespmem:s20+$0xFFFFFEF0] =	vst v5  }
0xd8: {  	v1 =	vld.idx.msk [tilespmem:v2+s3+$0x0], $0xffff  }
0xd9: {  	v2 =	vld [tilespmem:s19+$0x0];
	_ =	sdelay $0x4  }
0xda: {  	v3 =	vsel vm3, v2, v1  }
0xdb: {  	v4 =	vsel vm5, v2, v1;
	[tilespmem:s21+$0xFFFFFF10] =	vst v3  }
0xdc: {  	v48 =	vsel vm6, v2, v1;
	[tilespmem:s21+$0xFFFFFF30] =	vst v4  }
0xdd: {  	v5 =	vsel vm7, v2, v1;
	[tilespmem:s21+$0xFFFFFF50] =	vst v48  }
0xde: {  	v49 =	vmov s24;
	v3 =	vsel vm1, v2, v1;
	[tilespmem:s21+$0xFFFFFF40] =	vst v5  }
0xdf: {  	[tilespmem:s21+$0xFFFFFF20] =	vst v3;
	v3 =	vsel vm4, v2, v1  }
0xe0: {  	[tilespmem:s21+$0xFFFFFF60] =	vst v3;
	v3 =	vsel vm2, v2, v1  }
0xe1: {  	v1 =	vsel vm0, v2, v1;
	[tilespmem:s21+$0xFFFFFF70] =	vst v3  }
0xe2: {  	[tilespmem:s21+$0xFFFFFF80] =	vst v1  }
0xe3: {  	v1 =	vld.idx.msk [tilespmem:v49+s3+$0x0], $0xffff  }
0xe4: {  	v2 =	vld [tilespmem:s19+$0x10];
	_ =	sdelay $0x4  }
0xe5: {  	v3 =	vsel vm3, v2, v1  }
0xe6: {  	v4 =	vsel vm5, v2, v1;
	[tilespmem:s21+$0xFFFFFF90] =	vst v3  }
0xe7: {  	v50 =	vsel vm0, v2, v1;
	[tilespmem:s21+$0xFFFFFFB0] =	vst v4  }
0xe8: {  	v3 =	vsel vm7, v2, v1;
	[tilespmem:s21+$0x0] =	vst v50  }
0xe9: {  	[tilespmem:s21+$0xFFFFFFC0] =	vst v3;
	v3 =	vsel vm4, v2, v1  }
0xea: {  	s29 =	sshll.u32 s18, $0x14;
	[tilespmem:s21+$0xFFFFFFE0] =	vst v3;
	v3 =	vsel vm6, v2, v1  }
0xeb: {  	s23 =	sadd.s32 $0xFFFFFFFC, s17;
	s19 =	sor.u32 s6, s29;
	[tilespmem:s21+$0xFFFFFFD0] =	vst v3;
	v3 =	vsel vm1, v2, v1  }
0xec: {  	s30 =	sadd.s32 $0xC4, s23;
	s19 =	sshrl.u32 s19, $0x3;
	v1 =	vsel vm2, v2, v1;
	[tilespmem:s21+$0xFFFFFFA0] =	vst v3  }
0xed: {  	s19 =	sadd.s32 s2, s19;
	v2 =	vmov s30;
	[tilespmem:s21+$0xFFFFFFF0] =	vst v1  }
0xee: {  	v2 =	vand.u32 $0xFFFFFFFC, v2;
	[hbm4b:s19+s10] =	stream.strided.scatter [tilespmem:s12], [sflag:$0x1], $0x4000, s11, s10, $0x38;
	[tilespmem:$0x11B00] =	vst v63  }
0xef: {  	s19 =	sshllo.u32 s18, $0x1;
	v2 =	vbroadcast v2, $0x0  }
0xf0: {  	s21 =	simm.s32 @!p0 $0x2;
	s20 =	sshll.u32 s19, $0x1  }
0xf1: {  	_ =	swait.ge @!p0 [sflag:s21], $0x4000;
	v1 =	vadd.s32 s20, v0;
	s31 =	sadd.s32 $0x5780, s20  }
0xf2: {  	s22 =	sadd.s32 $0xC80, s20;
	[sflag:s21] =	ssyncset.done @!p0 $0x0;
	v51 =	vadd.s32 s31, v0  }
0xf3: {  	s24 =	sadd.s32 $0x3E80, s20;
	v3 =	vadd.s32 s22, v0;
	[sflag:s21] =	ssyncadd.s32 @!p0 $0xFFFFC000;
	s21 =	simm.s32 $0x32A0  }
0xf4: {  	s25 =	sor.u32 $0x4B00, s20;
	v6 =	vadd.s32 s24, v0;
	v10 =	vld [tilespmem:s21+$0xFFFFFFE0]  }
0xf5: {  	s22 =	sor.u32 $0x1900, s20;
	v7 =	vadd.s32 s25, v0;
	v2 =	vld.idx.msk [tilespmem:v2+s3+$0x0], $0xffff  }
0xf6: {  	s26 =	sadd.s32 $0x2580, s20;
	v52 =	vadd.s32 s22, v0;
	v1 =	vld.idx.msk [tilespmem:v1+s9+$0x0], $0xffff  }
0xf7: {  	s29 =	sor.u32 $0x3200, s20;
	v8 =	vadd.s32 s26, v0;
	v4 =	vld.idx.msk [tilespmem:v51+s9+$0x0], $0xffff  }
0xf8: {  	v9 =	vadd.s32 s29, v0;
	v3 =	vld.idx.msk [tilespmem:v3+s9+$0x0], $0xffff  }
0xf9: {  	v6 =	vld.idx.msk [tilespmem:v6+s9+$0x0], $0xffff  }
0xfa: {  	v7 =	vld.idx.msk [tilespmem:v7+s9+$0x0], $0xffff  }
0xfb: {  	v5 =	vld.idx.msk [tilespmem:v52+s9+$0x0], $0xffff;
	vm3 =	veq.s32 v1, $0x0  }
0xfc: {  	s22 =	simm.s32 $0xDC00;
	v8 =	vld.idx.msk [tilespmem:v8+s9+$0x0], $0xffff;
	vm1 =	veq.s32 v4, $0x0;
	v53 =	vsel vm3, v10, v2  }
0xfd: {  	s30 =	sadd.s32 $0xC5, s23;
	v1 =	vld.idx.msk [tilespmem:v9+s9+$0x0], $0xffff;
	vm0 =	veq.s32 v3, $0x0;
	v54 =	vsel vm1, v10, v2;
	[tilespmem:s22+$0xFFFFFF00] =	vst v53  }
0xfe: {  	v3 =	vmov s30;
	vm4 =	veq.s32 v6, $0x0;
	v55 =	vsel vm0, v10, v2;
	[tilespmem:s22+$0xFFFFFF70] =	vst v54  }
0xff: {  	vm2 =	veq.s32 v7, $0x0;
	v3 =	vand.u32 $0xFFFFFFFD, v3;
	v6 =	vsel vm4, v10, v2;
	[tilespmem:s22+$0xFFFFFF10] =	vst v55  }
0x100: {  	vm5 =	veq.s32 v5, $0x0;
	v56 =	vsel vm2, v10, v2;
	v3 =	vbroadcast v3, $0x0;
	[tilespmem:s22+$0xFFFFFF50] =	vst v6  }
0x101: {  	vm7 =	veq.s32 v8, $0x0;
	v5 =	vsel vm5, v10, v2;
	[tilespmem:s22+$0xFFFFFF60] =	vst v56  }
0x102: {  	[tilespmem:s22+$0xFFFFFF20] =	vst v5;
	vm6 =	veq.s32 v1, $0x0;
	v1 =	vsel vm7, v10, v2  }
0x103: {  	v2 =	vsel vm6, v10, v2;
	[tilespmem:s22+$0xFFFFFF30] =	vst v1  }
0x104: {  	[tilespmem:s22+$0xFFFFFF40] =	vst v2  }
0x105: {  	v2 =	vld [tilespmem:s21+$0xFFFFFFF0]  }
0x106: {  	v1 =	vld.idx.msk [tilespmem:v3+s3+$0x0], $0xffff;
	_ =	sdelay $0x4  }
0x107: {  	s31 =	sadd.s32 $0xC6, s23;
	v3 =	vsel vm3, v2, v1  }
0x108: {  	v57 =	vmov s31;
	v58 =	vsel vm0, v2, v1;
	[tilespmem:s22+$0xFFFFFF80] =	vst v3  }
0x109: {  	v59 =	vsel vm5, v2, v1;
	v3 =	vand.u32 $0xFFFFFFFE, v57;
	[tilespmem:s22+$0xFFFFFF90] =	vst v58  }
0x10a: {  	v60 =	vsel vm4, v2, v1;
	[tilespmem:s22+$0xFFFFFFA0] =	vst v59;
	v3 =	vbroadcast v3, $0x0  }
0x10b: {  	v61 =	vsel vm1, v2, v1;
	[tilespmem:s22+$0xFFFFFFD0] =	vst v60  }
0x10c: {  	v62 =	vsel vm6, v2, v1;
	[tilespmem:s22+$0xFFFFFFF0] =	vst v61  }
0x10d: {  	v63 =	vsel vm7, v2, v1;
	[tilespmem:s22+$0xFFFFFFC0] =	vst v62  }
0x10e: {  	v1 =	vsel vm2, v2, v1;
	[tilespmem:s22+$0xFFFFFFB0] =	vst v63  }
0x10f: {  	s28 =	sadd.s32 $0xC7, s23;
	s24 =	sshllo.u32 s19, $0x1;
	[tilespmem:s22+$0xFFFFFFE0] =	vst v1  }
0x110: {  	s25 =	simm.s32 $0x0;
	s26 =	simm.s32 $0x32A0;
	s23 =	simm.s32 $0xDC00;
	v1 =	vld.idx.msk [tilespmem:v3+s3+$0x0], $0xffff  }
.LBB2_9:
0x111: {  	s26 =	sadd.s32 $0x40, s26  }
0x112: {  	v2 =	vld [tilespmem:s21+$0x0];
	s22 =	sadd.s32 $0x200, s22;
	s29 =	smov.u32 s25;
	s25 =	sadd.s32 $0x4, s25  }
0x113: {  	p0 =	slt.u32 s25, $0x3C;
	_ =	sdelay $0x3  }
0x114: {  	v3 =	vsel vm3, v2, v1;
	v4 =	vsel vm0, v2, v1;
	v5 =	vsel vm5, v2, v1  }
0x115: {  	v6 =	vsel vm6, v2, v1;
	v7 =	vsel vm4, v2, v1;
	[tilespmem:s23+$0x0] =	vst v3;
	v3 =	vsel vm7, v2, v1  }
0x116: {  	[tilespmem:s23+$0x20] =	vst v5;
	v5 =	vsel vm2, v2, v1;
	v1 =	vsel vm1, v2, v1  }
0x117: {  	[tilespmem:s23+$0x10] =	vst v4  }
0x118: {  	v2 =	vmov s28;
	[tilespmem:s23+$0x40] =	vst v6  }
0x119: {  	[tilespmem:s23+$0x50] =	vst v7  }
0x11a: {  	[tilespmem:s23+$0x30] =	vst v3  }
0x11b: {  	[tilespmem:s23+$0x60] =	vst v5  }
0x11c: {  	[tilespmem:s23+$0x70] =	vst v1  }
0x11d: {  	v1 =	vld.idx.msk [tilespmem:v2+s3+$0x0], $0xffff  }
0x11e: {  	v2 =	vld [tilespmem:s21+$0x10];
	s21 =	smov.u32 s26;
	_ =	sdelay $0x3  }
0x11f: {  	s28 =	sadd.s32 s29, s17  }
0x120: {  	s29 =	sadd.s32 $0xC4, s28;
	s30 =	sadd.s32 $0xC5, s28;
	s31 =	sadd.s32 $0xC6, s28;
	v3 =	vsel vm3, v2, v1;
	v4 =	vsel vm0, v2, v1;
	v5 =	vsel vm5, v2, v1  }
0x121: {  	s28 =	sadd.s32 $0xC7, s28;
	v6 =	vmov s29;
	v7 =	vsel vm6, v2, v1;
	[tilespmem:s23+$0x80] =	vst v3;
	v3 =	vsel vm7, v2, v1  }
0x122: {  	v6 =	vand.u32 $0xFFFFFFFC, v6;
	v8 =	vsel vm2, v2, v1;
	[tilespmem:s23+$0xB0] =	vst v3;
	v3 =	vsel vm4, v2, v1  }
0x123: {  	v9 =	vmov s30;
	v6 =	vbroadcast v6, $0x0;
	v1 =	vsel vm1, v2, v1;
	[tilespmem:s23+$0xD0] =	vst v3  }
0x124: {  	v2 =	vand.u32 $0xFFFFFFFD, v9;
	v3 =	vmov s31;
	[tilespmem:s23+$0xA0] =	vst v5  }
0x125: {  	v3 =	vand.u32 $0xFFFFFFFE, v3;
	[tilespmem:s23+$0xC0] =	vst v7  }
0x126: {  	[tilespmem:s23+$0xF0] =	vst v1  }
0x127: {  	[tilespmem:s23+$0x90] =	vst v4  }
0x128: {  	[tilespmem:s23+$0xE0] =	vst v8;
	s23 =	smov.u32 s22  }
0x129: {  	v1 =	vld.idx.msk [tilespmem:v6+s3+$0x0], $0xffff  }
0x12a: {  	v4 =	vld [tilespmem:s26+$0xFFFFFFE0];
	_ =	sdelay $0x4  }
0x12b: {  	v5 =	vsel vm3, v4, v1;
	v6 =	vsel vm0, v4, v1;
	v7 =	vsel vm1, v4, v1  }
0x12c: {  	v8 =	vsel vm7, v4, v1;
	v9 =	vsel vm4, v4, v1;
	[tilespmem:s22+$0xFFFFFF00] =	vst v5;
	v5 =	vsel vm5, v4, v1  }
0x12d: {  	v10 =	vsel vm6, v4, v1;
	v1 =	vsel vm2, v4, v1;
	[tilespmem:s22+$0xFFFFFF70] =	vst v7  }
0x12e: {  	v2 =	vbroadcast v2, $0x0;
	[tilespmem:s22+$0xFFFFFF10] =	vst v6  }
0x12f: {  	[tilespmem:s22+$0xFFFFFF50] =	vst v9  }
0x130: {  	[tilespmem:s22+$0xFFFFFF60] =	vst v1  }
0x131: {  	[tilespmem:s22+$0xFFFFFF20] =	vst v5  }
0x132: {  	[tilespmem:s22+$0xFFFFFF30] =	vst v8  }
0x133: {  	[tilespmem:s22+$0xFFFFFF40] =	vst v10  }
0x134: {  	v1 =	vld.idx.msk [tilespmem:v2+s3+$0x0], $0xffff  }
0x135: {  	v2 =	vld [tilespmem:s26+$0xFFFFFFF0];
	_ =	sdelay $0x4  }
0x136: {  	v4 =	vsel vm3, v2, v1;
	v5 =	vsel vm0, v2, v1;
	v6 =	vsel vm5, v2, v1  }
0x137: {  	v7 =	vsel vm6, v2, v1;
	v8 =	vsel vm4, v2, v1;
	[tilespmem:s22+$0xFFFFFF80] =	vst v4;
	v4 =	vsel vm7, v2, v1  }
0x138: {  	[tilespmem:s22+$0xFFFFFF90] =	vst v5;
	v5 =	vsel vm2, v2, v1;
	v1 =	vsel vm1, v2, v1  }
0x139: {  	v2 =	vbroadcast v3, $0x0;
	[tilespmem:s22+$0xFFFFFFA0] =	vst v6  }
0x13a: {  	[tilespmem:s22+$0xFFFFFFD0] =	vst v8  }
.Ltmp3:
0x13b: {  	[tilespmem:s22+$0xFFFFFFF0] =	vst v1;
	(pc) =	sbr.rel @p0 .LBB2_9-.Ltmp3, $4  }
0x13c: {  	[tilespmem:s22+$0xFFFFFFC0] =	vst v7  }
0x13d: {  	[tilespmem:s22+$0xFFFFFFB0] =	vst v4  }
0x13e: {  	[tilespmem:s22+$0xFFFFFFE0] =	vst v5  }
0x13f: {  	v1 =	vld.idx.msk [tilespmem:v2+s3+$0x0], $0xffff  }
0x140: {  	v2 =	vld [tilespmem:s21+$0x0];
	_ =	sdelay $0x4  }
0x141: {  	v3 =	vsel vm3, v2, v1  }
0x142: {  	v4 =	vsel vm5, v2, v1;
	[tilespmem:s23+$0x0] =	vst v3  }
0x143: {  	v45 =	vsel vm6, v2, v1;
	[tilespmem:s23+$0x20] =	vst v4  }
0x144: {  	v5 =	vsel vm7, v2, v1;
	[tilespmem:s23+$0x40] =	vst v45  }
0x145: {  	v46 =	vmov s28;
	v3 =	vsel vm0, v2, v1;
	[tilespmem:s23+$0x30] =	vst v5  }
0x146: {  	[tilespmem:s23+$0x10] =	vst v3;
	v3 =	vsel vm4, v2, v1  }
0x147: {  	[tilespmem:s23+$0x50] =	vst v3;
	v3 =	vsel vm2, v2, v1  }
0x148: {  	v1 =	vsel vm1, v2, v1;
	[tilespmem:s23+$0x60] =	vst v3  }
0x149: {  	[tilespmem:s23+$0x70] =	vst v1  }
0x14a: {  	v1 =	vld.idx.msk [tilespmem:v46+s3+$0x0], $0xffff  }
0x14b: {  	v2 =	vld [tilespmem:s21+$0x10];
	_ =	sdelay $0x4  }
0x14c: {  	v3 =	vsel vm3, v2, v1  }
0x14d: {  	s22 =	sadd.s32 $0xFFFFFFFC, s17;
	v4 =	vsel vm5, v2, v1;
	[tilespmem:s23+$0x80] =	vst v3  }
0x14e: {  	s29 =	sadd.s32 $0x104, s22;
	v6 =	vsel vm1, v2, v1;
	[tilespmem:s23+$0xA0] =	vst v4  }
0x14f: {  	v48 =	vmov s29;
	v7 =	vsel vm0, v2, v1;
	[tilespmem:s23+$0xF0] =	vst v6  }
0x150: {  	v47 =	vadd.s32 s24, v0;
	s31 =	sadd.s32 $0x5781, s20;
	v5 =	vand.u32 $0xFFFFFFFC, v48;
	v3 =	vsel vm7, v2, v1;
	[tilespmem:s23+$0x90] =	vst v7  }
0x151: {  	v49 =	vadd.s32 s31, v0;
	v5 =	vbroadcast v5, $0x0;
	[tilespmem:s23+$0xB0] =	vst v3;
	v3 =	vsel vm4, v2, v1  }
0x152: {  	[tilespmem:s23+$0xD0] =	vst v3;
	v3 =	vsel vm6, v2, v1  }
0x153: {  	s25 =	sadd.s32 $0x3E81, s20;
	v1 =	vsel vm2, v2, v1;
	[tilespmem:s23+$0xC0] =	vst v3  }
0x154: {  	s26 =	sor.u32 $0x4B01, s20;
	v50 =	vadd.s32 s25, v0;
	[tilespmem:s23+$0xE0] =	vst v1  }
0x155: {  	s30 =	sadd.s32 $0xC81, s20;
	v51 =	vadd.s32 s26, v0;
	v1 =	vld.idx.msk [tilespmem:v47+s9+$0x0], $0xffff  }
0x156: {  	s24 =	sor.u32 $0x1901, s20;
	v3 =	vadd.s32 s30, v0;
	v6 =	vld.idx.msk [tilespmem:v49+s9+$0x0], $0xffff  }
0x157: {  	s28 =	sadd.s32 $0x2581, s20;
	s29 =	sor.u32 $0x3201, s20;
	s20 =	simm.s32 $0x32A0;
	v2 =	vadd.s32 s24, v0;
	v5 =	vld.idx.msk [tilespmem:v5+s3+$0x0], $0xffff  }
0x158: {  	v10 =	vld [tilespmem:s20+$0xFFFFFFE0]  }
0x159: {  	v8 =	vadd.s32 s28, v0;
	v4 =	vld.idx.msk [tilespmem:v50+s9+$0x0], $0xffff  }
0x15a: {  	v9 =	vadd.s32 s29, v0;
	v7 =	vld.idx.msk [tilespmem:v51+s9+$0x0], $0xffff  }
0x15b: {  	v3 =	vld.idx.msk [tilespmem:v3+s9+$0x0], $0xffff  }
0x15c: {  	v2 =	vld.idx.msk [tilespmem:v2+s9+$0x0], $0xffff  }
0x15d: {  	vm3 =	veq.s32 v1, $0x0  }
0x15e: {  	s21 =	simm.s32 $0xFCF0;
	v8 =	vld.idx.msk [tilespmem:v8+s9+$0x0], $0xffff;
	vm0 =	veq.s32 v6, $0x0;
	v52 =	vsel vm3, v10, v5  }
0x15f: {  	s30 =	sadd.s32 $0x105, s22;
	v1 =	vld.idx.msk [tilespmem:v9+s9+$0x0], $0xffff;
	vm4 =	veq.s32 v4, $0x0;
	vm2 =	veq.s32 v7, $0x0;
	v53 =	vsel vm0, v10, v5;
	[tilespmem:s21+$0xFFFFFE10] =	vst v52  }
0x160: {  	v55 =	vsel vm4, v10, v5;
	[tilespmem:s21+$0xFFFFFE80] =	vst v53;
	vm1 =	veq.s32 v3, $0x0;
	v3 =	vmov s30  }
0x161: {  	[tilespmem:s21+$0xFFFFFE60] =	vst v55;
	vm5 =	veq.s32 v2, $0x0;
	v2 =	vsel vm2, v10, v5;
	v3 =	vand.u32 $0xFFFFFFFD, v3  }
0x162: {  	v56 =	vsel vm5, v10, v5;
	[tilespmem:s21+$0xFFFFFE70] =	vst v2;
	v3 =	vbroadcast v3, $0x0  }
0x163: {  	vm7 =	veq.s32 v8, $0x0;
	v54 =	vsel vm1, v10, v5;
	[tilespmem:s21+$0xFFFFFE30] =	vst v56  }
0x164: {  	vm6 =	veq.s32 v1, $0x0;
	v1 =	vsel vm7, v10, v5;
	[tilespmem:s21+$0xFFFFFE20] =	vst v54  }
0x165: {  	v2 =	vsel vm6, v10, v5;
	[tilespmem:s21+$0xFFFFFE40] =	vst v1  }
0x166: {  	[tilespmem:s21+$0xFFFFFE50] =	vst v2  }
0x167: {  	v2 =	vld [tilespmem:s20+$0xFFFFFFF0]  }
0x168: {  	v1 =	vld.idx.msk [tilespmem:v3+s3+$0x0], $0xffff;
	_ =	sdelay $0x4  }
0x169: {  	s31 =	sadd.s32 $0x106, s22;
	v3 =	vsel vm3, v2, v1  }
0x16a: {  	v57 =	vmov s31;
	v58 =	vsel vm1, v2, v1;
	[tilespmem:s21+$0xFFFFFE90] =	vst v3  }
0x16b: {  	v59 =	vsel vm5, v2, v1;
	v3 =	vand.u32 $0xFFFFFFFE, v57;
	[tilespmem:s21+$0xFFFFFEA0] =	vst v58  }
0x16c: {  	v60 =	vsel vm4, v2, v1;
	[tilespmem:s21+$0xFFFFFEB0] =	vst v59;
	v3 =	vbroadcast v3, $0x0  }
0x16d: {  	v61 =	vsel vm0, v2, v1;
	[tilespmem:s21+$0xFFFFFEE0] =	vst v60  }
0x16e: {  	v62 =	vsel vm6, v2, v1;
	[tilespmem:s21+$0xFFFFFF00] =	vst v61  }
0x16f: {  	v63 =	vsel vm7, v2, v1;
	[tilespmem:s21+$0xFFFFFED0] =	vst v62  }
0x170: {  	v1 =	vsel vm2, v2, v1;
	[tilespmem:s21+$0xFFFFFEC0] =	vst v63  }
0x171: {  	s25 =	sadd.s32 $0x107, s22;
	[tilespmem:s21+$0xFFFFFEF0] =	vst v1  }
0x172: {  	s24 =	simm.s32 $0x32A0;
	s23 =	simm.s32 $0x0;
	s22 =	simm.s32 $0xFCF0;
	v1 =	vld.idx.msk [tilespmem:v3+s3+$0x0], $0xffff  }
.LBB2_11:
0x173: {  	s21 =	sadd.s32 $0x200, s21  }
0x174: {  	v2 =	vld [tilespmem:s20+$0x0];
	s24 =	sadd.s32 $0x40, s24;
	s26 =	smov.u32 s23;
	s23 =	sadd.s32 $0x4, s23  }
0x175: {  	p0 =	slt.u32 s23, $0x3C;
	_ =	sdelay $0x3  }
0x176: {  	v3 =	vsel vm3, v2, v1;
	v4 =	vsel vm1, v2, v1;
	v5 =	vsel vm5, v2, v1  }
0x177: {  	v6 =	vsel vm6, v2, v1;
	v7 =	vsel vm4, v2, v1;
	[tilespmem:s22+$0xFFFFFF10] =	vst v3;
	v3 =	vsel vm7, v2, v1  }
0x178: {  	[tilespmem:s22+$0xFFFFFF30] =	vst v5;
	v5 =	vsel vm2, v2, v1;
	v1 =	vsel vm0, v2, v1  }
0x179: {  	[tilespmem:s22+$0xFFFFFF20] =	vst v4  }
0x17a: {  	v2 =	vmov s25;
	[tilespmem:s22+$0xFFFFFF50] =	vst v6  }
0x17b: {  	[tilespmem:s22+$0xFFFFFF60] =	vst v7  }
0x17c: {  	[tilespmem:s22+$0xFFFFFF40] =	vst v3  }
0x17d: {  	[tilespmem:s22+$0xFFFFFF70] =	vst v5  }
0x17e: {  	[tilespmem:s22+$0xFFFFFF80] =	vst v1  }
0x17f: {  	v1 =	vld.idx.msk [tilespmem:v2+s3+$0x0], $0xffff  }
0x180: {  	v2 =	vld [tilespmem:s20+$0x10];
	s20 =	smov.u32 s24;
	_ =	sdelay $0x3  }
0x181: {  	s25 =	sadd.s32 s26, s17  }
0x182: {  	s26 =	sadd.s32 $0x104, s25;
	s28 =	sadd.s32 $0x105, s25;
	s29 =	sadd.s32 $0x106, s25;
	v3 =	vsel vm3, v2, v1;
	v4 =	vsel vm1, v2, v1;
	v5 =	vsel vm5, v2, v1  }
0x183: {  	s25 =	sadd.s32 $0x107, s25;
	v6 =	vmov s26;
	v7 =	vsel vm6, v2, v1;
	[tilespmem:s22+$0xFFFFFF90] =	vst v3;
	v3 =	vsel vm7, v2, v1  }
0x184: {  	v6 =	vand.u32 $0xFFFFFFFC, v6;
	v8 =	vsel vm2, v2, v1;
	[tilespmem:s22+$0xFFFFFFC0] =	vst v3;
	v3 =	vsel vm4, v2, v1  }
0x185: {  	v9 =	vmov s28;
	v6 =	vbroadcast v6, $0x0;
	v1 =	vsel vm0, v2, v1;
	[tilespmem:s22+$0xFFFFFFE0] =	vst v3  }
0x186: {  	v2 =	vand.u32 $0xFFFFFFFD, v9;
	v3 =	vmov s29;
	[tilespmem:s22+$0xFFFFFFB0] =	vst v5  }
0x187: {  	v3 =	vand.u32 $0xFFFFFFFE, v3;
	[tilespmem:s22+$0xFFFFFFD0] =	vst v7  }
0x188: {  	[tilespmem:s22+$0x0] =	vst v1  }
0x189: {  	[tilespmem:s22+$0xFFFFFFA0] =	vst v4  }
0x18a: {  	[tilespmem:s22+$0xFFFFFFF0] =	vst v8;
	s22 =	smov.u32 s21  }
0x18b: {  	v1 =	vld.idx.msk [tilespmem:v6+s3+$0x0], $0xffff  }
0x18c: {  	v4 =	vld [tilespmem:s24+$0xFFFFFFE0];
	_ =	sdelay $0x4  }
0x18d: {  	v5 =	vsel vm3, v4, v1;
	v6 =	vsel vm1, v4, v1;
	v7 =	vsel vm0, v4, v1  }
0x18e: {  	v8 =	vsel vm7, v4, v1;
	v9 =	vsel vm4, v4, v1;
	[tilespmem:s21+$0xFFFFFE10] =	vst v5;
	v5 =	vsel vm5, v4, v1  }
0x18f: {  	v10 =	vsel vm6, v4, v1;
	v1 =	vsel vm2, v4, v1;
	[tilespmem:s21+$0xFFFFFE80] =	vst v7  }
0x190: {  	v2 =	vbroadcast v2, $0x0;
	[tilespmem:s21+$0xFFFFFE20] =	vst v6  }
0x191: {  	[tilespmem:s21+$0xFFFFFE60] =	vst v9  }
0x192: {  	[tilespmem:s21+$0xFFFFFE70] =	vst v1  }
0x193: {  	[tilespmem:s21+$0xFFFFFE30] =	vst v5  }
0x194: {  	[tilespmem:s21+$0xFFFFFE40] =	vst v8  }
0x195: {  	[tilespmem:s21+$0xFFFFFE50] =	vst v10  }
0x196: {  	v1 =	vld.idx.msk [tilespmem:v2+s3+$0x0], $0xffff  }
0x197: {  	v2 =	vld [tilespmem:s24+$0xFFFFFFF0];
	_ =	sdelay $0x4  }
0x198: {  	v4 =	vsel vm3, v2, v1;
	v5 =	vsel vm1, v2, v1;
	v6 =	vsel vm5, v2, v1  }
0x199: {  	v7 =	vsel vm6, v2, v1;
	v8 =	vsel vm4, v2, v1;
	[tilespmem:s21+$0xFFFFFE90] =	vst v4;
	v4 =	vsel vm7, v2, v1  }
0x19a: {  	[tilespmem:s21+$0xFFFFFEA0] =	vst v5;
	v5 =	vsel vm2, v2, v1;
	v1 =	vsel vm0, v2, v1  }
0x19b: {  	v2 =	vbroadcast v3, $0x0;
	[tilespmem:s21+$0xFFFFFEB0] =	vst v6  }
0x19c: {  	[tilespmem:s21+$0xFFFFFEE0] =	vst v8  }
.Ltmp4:
0x19d: {  	[tilespmem:s21+$0xFFFFFF00] =	vst v1;
	(pc) =	sbr.rel @p0 .LBB2_11-.Ltmp4, $4  }
0x19e: {  	[tilespmem:s21+$0xFFFFFED0] =	vst v7  }
0x19f: {  	[tilespmem:s21+$0xFFFFFEC0] =	vst v4  }
0x1a0: {  	[tilespmem:s21+$0xFFFFFEF0] =	vst v5  }
0x1a1: {  	v1 =	vld.idx.msk [tilespmem:v2+s3+$0x0], $0xffff  }
0x1a2: {  	v2 =	vld [tilespmem:s20+$0x0];
	_ =	sdelay $0x4  }
0x1a3: {  	v3 =	vsel vm3, v2, v1  }
0x1a4: {  	v4 =	vsel vm5, v2, v1;
	[tilespmem:s22+$0xFFFFFF10] =	vst v3  }
0x1a5: {  	v61 =	vsel vm6, v2, v1;
	[tilespmem:s22+$0xFFFFFF30] =	vst v4  }
0x1a6: {  	v5 =	vsel vm7, v2, v1;
	[tilespmem:s22+$0xFFFFFF50] =	vst v61  }
0x1a7: {  	v62 =	vmov s25;
	v3 =	vsel vm1, v2, v1;
	[tilespmem:s22+$0xFFFFFF40] =	vst v5  }
0x1a8: {  	[tilespmem:s22+$0xFFFFFF20] =	vst v3;
	v3 =	vsel vm4, v2, v1  }
0x1a9: {  	[tilespmem:s22+$0xFFFFFF60] =	vst v3;
	v3 =	vsel vm2, v2, v1  }
0x1aa: {  	v1 =	vsel vm0, v2, v1;
	[tilespmem:s22+$0xFFFFFF70] =	vst v3  }
0x1ab: {  	[tilespmem:s22+$0xFFFFFF80] =	vst v1  }
0x1ac: {  	v1 =	vld.idx.msk [tilespmem:v62+s3+$0x0], $0xffff  }
0x1ad: {  	v2 =	vld [tilespmem:s20+$0x10];
	_ =	sdelay $0x4  }
0x1ae: {  	v3 =	vsel vm3, v2, v1  }
0x1af: {  	v4 =	vsel vm5, v2, v1;
	[tilespmem:s22+$0xFFFFFF90] =	vst v3  }
0x1b0: {  	v63 =	vsel vm0, v2, v1;
	[tilespmem:s22+$0xFFFFFFB0] =	vst v4  }
0x1b1: {  	s18 =	sadd.s32 $0x1, s18;
	v3 =	vsel vm7, v2, v1;
	[tilespmem:s22+$0x0] =	vst v63  }
0x1b2: {  	p0 =	sne.s32 s18, $0x32;
	[tilespmem:s22+$0xFFFFFFC0] =	vst v3;
	v3 =	vsel vm4, v2, v1  }
.Ltmp5:
0x1b3: {  	s19 =	sshll.u32 s19, $0x13;
	[tilespmem:s22+$0xFFFFFFE0] =	vst v3;
	v3 =	vsel vm6, v2, v1;
	(pc) =	sbr.rel @p0 .LBB2_4-.Ltmp5, $4  }
0x1b4: {  	s19 =	sor.u32 s6, s19;
	[tilespmem:s22+$0xFFFFFFD0] =	vst v3;
	v3 =	vsel vm1, v2, v1  }
0x1b5: {  	s19 =	sshrl.u32 s19, $0x3;
	v1 =	vsel vm2, v2, v1;
	[tilespmem:s22+$0xFFFFFFA0] =	vst v3  }
0x1b6: {  	s17 =	sadd.s32 $0x100, s17;
	s19 =	sadd.s32 s2, s19;
	[tilespmem:s22+$0xFFFFFFF0] =	vst v1  }
0x1b7: {  	[hbm4b:s19+s10] =	stream.strided.scatter [tilespmem:s13], [sflag:$0x2], $0x4000, s11, s10, $0x38;
	[tilespmem:$0x11B00] =	vst v63  }
0x1b8: {  	s16 =	sadd.s32 $0x1, s16  }
0x1b9: {  	_ =	swait.ge [sflag:s14], $0x4000;
	p0 =	sne.s32 s16, s7  }
.Ltmp6:
0x1ba: {  	[sflag:s14] =	ssyncset.done $0x0;
	(pc) =	sbr.rel @p0 .LBB2_1-.Ltmp6, $4  }
0x1bb: {  	[sflag:s14] =	ssyncadd.s32 $0xFFFFC000  }
0x1bc: {  	_ =	swait.ge [sflag:s15], $0x4000  }
0x1bd: {  	[sflag:s15] =	ssyncset.done $0x0  }
0x1be: {  	[sflag:s15] =	ssyncadd.s32 $0xFFFFC000  }
0x1bf: {  	_ =	sfence.sel $0x180000  }
0x1c0: {  	[bflag:$0x0] =	sbarrier.arrive $0xFFFF  }
0x1c1: {  	p0 =	sne.s32 s0, $0x0;
	_ =	strace $0x90000047  }
0x1c2: {  	s0 =	sadd.s32 @!p0 $0x100000, s1;
	[bflag:$0x2] =	sbarrier.arrive $0xFFFF  }
0x1c3: {  	[sflag:s0] =	ssyncadd.tile.s32 @!p0 $0x1;
	_ =	shalt  }
.Lfunc_end2:
_tile_overlayer_lowered:
.L_overlay_start_2:
0x1c4: {  	(tag) =	ssettag $0x2  }
0x1c5: {  	s0 =	rddreg [dreg:$0x0];
	s2 =	stileid.u32  }
0x1c6: {  	s1 =	rddreg [dreg:$0x1];
	p0 =	sne.s32 s2, $0x0  }
0x1c7: {  	s3 =	rddreg [dreg:$0x2];
	[bflag:$0x3] =	sbarrier.arrive $0xFFFF;
	s2 =	simm.s32 @!p0 $0x1C03  }
0x1c8: {  	[timem:s3], [sflag:s2] =	dma.local @!p0 [hbm:s0], s1  }
0x1c9: {  	s0 =	simm.s32 @!p0 $0x3  }
0x1ca: {  	_ =	swait.ge @!p0 [sflag:s0], s1  }
0x1cb: {  	s1 =	ssub.s32 @!p0 $0x0, s1;
	[sflag:s0] =	ssyncset.done @!p0 $0x0  }
0x1cc: {  	[sflag:s0] =	ssyncadd.s32 @!p0 s1  }
0x1cd: {  	[bflag:$0x3] =	sbarrier.arrive $0xFFFF  }
0x1ce: {  	_ =	shalt  }

</sc_bundles>
